<compile_context>
chip_gen: v7x
topology: tpu7x:2x2x1
jax: 0.10.2.dev20260603
libtpu: 0.0.44.dev20260713+nightly
codegen_flags: <defaults>
</compile_context>

<pallas_src>
import jax
import jax.numpy as jnp
from jax import lax
from jax.experimental import pallas as pl
from jax.experimental.pallas import tpu as pltpu
from jax.experimental.pallas import tpu_sc as plsc

B = 16384
F = 26
FIELD = 38461
NC, NS, L = 2, 16, 16
NW = NC * NS
BPW = B // NW
WIN = 38472
VECS = B // L
UNROLL = 4


def _lookup_body(xt_hbm, tbl_hbm, part_hbm, xcol, win, partial, sem):
    wid = lax.axis_index("s") * NC + lax.axis_index("c")

    @pl.when(wid < F)
    def _():
        start = pl.multiple_of((wid * FIELD) & ~7, 8)
        corr = wid * FIELD - start
        pltpu.async_copy(tbl_hbm.at[pl.ds(start, WIN)], win, sem)
        pltpu.async_copy(xt_hbm.at[wid, pl.ds(0, B)], xcol, sem)
        pltpu.make_async_copy(tbl_hbm.at[pl.ds(0, WIN)], win, sem).wait()
        pltpu.make_async_copy(xt_hbm.at[0, pl.ds(0, B)], xcol, sem).wait()

        corr16 = jnp.full((L,), corr, dtype=jnp.int32)

        def lookup(i, carry):
            for u in range(UNROLL):
                off = pl.multiple_of((i * UNROLL + u) * L, L)
                idx16 = xcol[pl.ds(off, L)] + corr16
                partial[pl.ds(off, L)] = plsc.load_gather(win, [idx16])
            return carry

        lax.fori_loop(0, VECS // UNROLL, lookup, 0)
        pltpu.sync_copy(partial, part_hbm.at[wid, pl.ds(0, B)])


def _reduce_body(part_hbm, bias_hbm, out_hbm, pv, outv, biasv, sem):
    wid = lax.axis_index("s") * NC + lax.axis_index("c")
    bbase = wid * BPW

    for f in range(F):
        pltpu.async_copy(
            part_hbm.at[f, pl.ds(bbase, BPW)],
            pv.at[pl.ds(f * BPW, BPW)],
            sem,
        )
    pltpu.sync_copy(bias_hbm, biasv)
    pltpu.make_async_copy(part_hbm.at[0, pl.ds(0, F * BPW)], pv, sem).wait()

    bias16 = biasv[...]

    def reduce(c, carry):
        cbase = pl.multiple_of(c * L, L)
        acc = bias16
        for f in range(F):
            acc = acc + pv[pl.ds(f * BPW + cbase, L)]
        outv[pl.ds(cbase, L)] = acc
        return carry

    lax.fori_loop(0, BPW // L, reduce, 0)

    pltpu.sync_copy(outv, out_hbm.at[pl.ds(wid * BPW, BPW)])


def kernel(x, table, bias):
    xt = x.astype(jnp.int32).T
    tbl = jnp.pad(table, ((0, 462), (0, 0))).reshape(-1)
    bias16 = jnp.broadcast_to(bias.astype(jnp.float32), (L,))
    mesh = plsc.VectorSubcoreMesh(
        core_axis_name="c", subcore_axis_name="s",
        num_cores=NC, num_subcores=NS,
    )
    params = pltpu.CompilerParams(needs_layout_passes=False)
    partials = pl.kernel(
        _lookup_body,
        out_type=jax.ShapeDtypeStruct((F, B), jnp.float32),
        mesh=mesh,
        compiler_params=params,
        scratch_types=[
            pltpu.VMEM((B,), jnp.int32),
            pltpu.VMEM((WIN,), jnp.float32),
            pltpu.VMEM((B,), jnp.float32),
            pltpu.SemaphoreType.DMA,
        ],
    )(xt, tbl)
    out = pl.kernel(
        _reduce_body,
        out_type=jax.ShapeDtypeStruct((B,), jnp.float32),
        mesh=mesh,
        compiler_params=params,
        scratch_types=[
            pltpu.VMEM((F * BPW,), jnp.float32),
            pltpu.VMEM((BPW,), jnp.float32),
            pltpu.VMEM((L,), jnp.float32),
            pltpu.SemaphoreType.DMA,
        ],
    )(partials, bias16)
    return out.reshape(B, 1)

# --- scband reference (transcript-rebuilt; emitter-appended) ---
"""Pipeline reference for scband-features-linear-77094662963316 (READ-ONLY COPY).

The authoritative reference and input builder live on the scoring server;
editing this copy changes nothing except your own understanding.
"""

import jax, jax.numpy as jnp
import numpy as np

FIELD_DIMS = [38461] * 26
TOTAL_DIM = int(sum(FIELD_DIMS))
OUTPUT_DIM = 1
BATCH = 16384


def setup_inputs(seed: int = 0) -> dict:
    key = jax.random.key(seed)
    k1, k2 = jax.random.split(key)
    x = jax.random.randint(k1, (BATCH, len(FIELD_DIMS)), 0, 38461)
    table = jax.random.normal(k2, (TOTAL_DIM, OUTPUT_DIM), dtype=jnp.float32) * 0.01
    bias = jnp.zeros((OUTPUT_DIM,), dtype=jnp.float32)
    return {"x": x, "table": table, "bias": bias}


def reference(x, table, bias):
    # offsets: cumulative start index of each field within the fused table
    offsets = jnp.asarray(np.array((0, *np.cumsum(FIELD_DIMS)[:-1]), dtype=np.int64), dtype=x.dtype)
    idx = x + offsets[None, :]                 # [B, F]
    emb = jnp.take(table, idx, axis=0)         # [B, F, output_dim] gather
    out = jnp.sum(emb, axis=1) + bias          # [B, output_dim]
    return out

if __name__ == "__main__":
    import jax
    _d = setup_inputs()
    print(jax.jit(kernel)(*tuple(_d.values())))

</pallas_src>

<mosaic_0001>
#map = affine_map<(d0, d1) -> (0, 0)>
#map1 = affine_map<(d0, d1) -> (0)>
module attributes {stable_mosaic.version = 14 : i64} {
  func.func @_lookup_body(%arg0: i32, %arg1: i32, %arg2: memref<26x16384xi32, #tpu.memory_space<hbm>>, %arg3: memref<1000448xf32, #tpu.memory_space<hbm>>, %arg4: memref<26x16384xf32, #tpu.memory_space<hbm>>, %arg5: memref<16384xi32, #tpu.memory_space<vmem>>, %arg6: memref<38472xf32, #tpu.memory_space<vmem>>, %arg7: memref<16384xf32, #tpu.memory_space<vmem>>, %arg8: memref<!tpu.dma_semaphore, #tpu.memory_space<semaphore_mem>>) attributes {dimension_semantics = [#tpu.dimension_semantics<core_parallel>, #tpu.dimension_semantics<subcore_parallel>], iteration_bounds = array<i64: 2, 16>, scalar_prefetch = 0 : i64, scratch_operands = 4 : i64, tpu.core_type = #tpu.core_type<sc_vector_subcore>, window_params = [{transform_indices = #map}, {transform_indices = #map1}, {transform_indices = #map}]} {
    %mul3A = arith.constant 2 : i32
    %mul3A_0 = arith.muli %arg1, %mul3A : i32
    %add3A = arith.addi %mul3A_0, %arg0 : i32
    %lt3A = arith.constant 26 : i32
    %lt3A_1 = arith.cmpi slt, %add3A, %lt3A : i32
    %convert_element_type3A = arith.extui %lt3A_1 : i1 to i32
    %cond3A = arith.constant 0 : i32
    %cond3A_2 = arith.cmpi ne, %convert_element_type3A, %cond3A : i32
    scf.if %cond3A_2 {
      %mul3A_3 = arith.constant 38461 : i32
      %mul3A_4 = arith.muli %add3A, %mul3A_3 : i32
      %and3A = arith.constant -8 : i32
      %and3A_5 = arith.andi %mul3A_4, %and3A : i32
      %multiple_of3A = tpu.assume_multiple %and3A_5, 8 : i32
      %mul3A_6 = arith.constant 38461 : i32
      %mul3A_7 = arith.muli %add3A, %mul3A_6 : i32
      %sub3A = arith.subi %mul3A_7, %multiple_of3A : i32
      %dma_start3A = tpu.memref_slice %arg3[%multiple_of3A] : memref<1000448xf32, #tpu.memory_space<hbm>> -> memref<38472xf32, #tpu.memory_space<hbm>>
      %dma_start3A_8 = tpu.memref_slice %arg3[%multiple_of3A] : memref<1000448xf32, #tpu.memory_space<hbm>> -> memref<38472xf32, #tpu.memory_space<hbm>>
      tpu.enqueue_dma source(%dma_start3A_8 : memref<38472xf32, #tpu.memory_space<hbm>>) target(%arg6 : memref<38472xf32, #tpu.memory_space<vmem>>) target_semaphore(%arg8 : memref<!tpu.dma_semaphore, #tpu.memory_space<semaphore_mem>>)
      %dma_start3A_9 = arith.constant 0 : i32
      %dma_start3A_10 = tpu.memref_slice %arg2[%add3A, %dma_start3A_9] : memref<26x16384xi32, #tpu.memory_space<hbm>> -> memref<1x16384xi32, #tpu.memory_space<hbm>>
      %dma_start3A_11 = tpu.memref_squeeze %dma_start3A_10 : memref<1x16384xi32, #tpu.memory_space<hbm>> -> memref<16384xi32, #tpu.memory_space<hbm>>
      %dma_start3A_12 = arith.constant 0 : i32
      %dma_start3A_13 = tpu.memref_slice %arg2[%add3A, %dma_start3A_12] : memref<26x16384xi32, #tpu.memory_space<hbm>> -> memref<1x16384xi32, #tpu.memory_space<hbm>>
      %dma_start3A_14 = tpu.memref_squeeze %dma_start3A_13 : memref<1x16384xi32, #tpu.memory_space<hbm>> -> memref<16384xi32, #tpu.memory_space<hbm>>
      tpu.enqueue_dma source(%dma_start3A_14 : memref<16384xi32, #tpu.memory_space<hbm>>) target(%arg5 : memref<16384xi32, #tpu.memory_space<vmem>>) target_semaphore(%arg8 : memref<!tpu.dma_semaphore, #tpu.memory_space<semaphore_mem>>)
      %dma_wait3A = arith.constant 0 : i32
      %dma_wait3A_15 = tpu.memref_slice %arg3[%dma_wait3A] : memref<1000448xf32, #tpu.memory_space<hbm>> -> memref<38472xf32, #tpu.memory_space<hbm>>
      %dma_wait3A_16 = arith.constant 0 : i32
      %dma_wait3A_17 = tpu.memref_slice %arg3[%dma_wait3A_16] : memref<1000448xf32, #tpu.memory_space<hbm>> -> memref<38472xf32, #tpu.memory_space<hbm>>
      tpu.wait_dma2 semaphore(%arg8 : memref<!tpu.dma_semaphore, #tpu.memory_space<semaphore_mem>>) src(%dma_wait3A_17 : memref<38472xf32, #tpu.memory_space<hbm>>) dst(%arg6 : memref<38472xf32, #tpu.memory_space<vmem>>)
      %dma_wait3A_18 = arith.constant 0 : i32
      %dma_wait3A_19 = arith.constant 0 : i32
      %dma_wait3A_20 = tpu.memref_slice %arg2[%dma_wait3A_18, %dma_wait3A_19] : memref<26x16384xi32, #tpu.memory_space<hbm>> -> memref<1x16384xi32, #tpu.memory_space<hbm>>
      %dma_wait3A_21 = tpu.memref_squeeze %dma_wait3A_20 : memref<1x16384xi32, #tpu.memory_space<hbm>> -> memref<16384xi32, #tpu.memory_space<hbm>>
      %dma_wait3A_22 = arith.constant 0 : i32
      %dma_wait3A_23 = tpu.memref_slice %arg2[%dma_wait3A_18, %dma_wait3A_22] : memref<26x16384xi32, #tpu.memory_space<hbm>> -> memref<1x16384xi32, #tpu.memory_space<hbm>>
      %dma_wait3A_24 = tpu.memref_squeeze %dma_wait3A_23 : memref<1x16384xi32, #tpu.memory_space<hbm>> -> memref<16384xi32, #tpu.memory_space<hbm>>
      tpu.wait_dma2 semaphore(%arg8 : memref<!tpu.dma_semaphore, #tpu.memory_space<semaphore_mem>>) src(%dma_wait3A_24 : memref<16384xi32, #tpu.memory_space<hbm>>) dst(%arg5 : memref<16384xi32, #tpu.memory_space<vmem>>)
      %broadcast_in_dim3A = vector.broadcast %sub3A : i32 to vector<16xi32>
      %scan3A = arith.constant 0 : i32
      %scan3A_25 = arith.constant 0 : i32
      %scan3A_26 = arith.constant 256 : i32
      %scan3A_27 = arith.addi %scan3A_25, %scan3A_26 : i32
      %scan3A_28 = arith.constant 1 : i32
      scf.for %scan3A_30 = %scan3A_25 to %scan3A_27 step %scan3A_28  : i32 {
        %mul3A_31 = arith.constant 4 : i32
        %mul3A_32 = arith.muli %scan3A_30, %mul3A_31 : i32
        %add3A_33 = arith.constant 0 : i32
        %add3A_34 = arith.addi %mul3A_32, %add3A_33 : i32
        %mul3A_35 = arith.constant 16 : i32
        %mul3A_36 = arith.muli %add3A_34, %mul3A_35 : i32
        %multiple_of3A_37 = tpu.assume_multiple %mul3A_36, 16 : i32
        %get3A = arith.index_cast %multiple_of3A_37 : i32 to index
        %get3A_38 = tpu.vector_load %arg5[%get3A] {strides = array<i32>} : memref<16384xi32, #tpu.memory_space<vmem>>, vector<16xi32>,
        %add3A_39 = arith.addi %get3A_38, %broadcast_in_dim3A : vector<16xi32>
        %gather3A = tpu.vector_load_idx %arg6[%add3A_39] : memref<38472xf32, #tpu.memory_space<vmem>>[vector<16xi32>], vector<16xf32>,
        %swap3A = arith.index_cast %multiple_of3A_37 : i32 to index
        %swap3A_40 = tpu.vector_load %arg7[%swap3A] {strides = array<i32>} : memref<16384xf32, #tpu.memory_space<vmem>>, vector<16xf32>,
        tpu.vector_store %arg7[%swap3A], %gather3A {strides = array<i32>} : memref<16384xf32, #tpu.memory_space<vmem>>, vector<16xf32>,
        %mul3A_41 = arith.constant 4 : i32
        %mul3A_42 = arith.muli %scan3A_30, %mul3A_41 : i32
        %add3A_43 = arith.constant 1 : i32
        %add3A_44 = arith.addi %mul3A_42, %add3A_43 : i32
        %mul3A_45 = arith.constant 16 : i32
        %mul3A_46 = arith.muli %add3A_44, %mul3A_45 : i32
        %multiple_of3A_47 = tpu.assume_multiple %mul3A_46, 16 : i32
        %get3A_48 = arith.index_cast %multiple_of3A_47 : i32 to index
        %get3A_49 = tpu.vector_load %arg5[%get3A_48] {strides = array<i32>} : memref<16384xi32, #tpu.memory_space<vmem>>, vector<16xi32>,
        %add3A_50 = arith.addi %get3A_49, %broadcast_in_dim3A : vector<16xi32>
        %gather3A_51 = tpu.vector_load_idx %arg6[%add3A_50] : memref<38472xf32, #tpu.memory_space<vmem>>[vector<16xi32>], vector<16xf32>,
        %swap3A_52 = arith.index_cast %multiple_of3A_47 : i32 to index
        %swap3A_53 = tpu.vector_load %arg7[%swap3A_52] {strides = array<i32>} : memref<16384xf32, #tpu.memory_space<vmem>>, vector<16xf32>,
        tpu.vector_store %arg7[%swap3A_52], %gather3A_51 {strides = array<i32>} : memref<16384xf32, #tpu.memory_space<vmem>>, vector<16xf32>,
        %mul3A_54 = arith.constant 4 : i32
        %mul3A_55 = arith.muli %scan3A_30, %mul3A_54 : i32
        %add3A_56 = arith.constant 2 : i32
        %add3A_57 = arith.addi %mul3A_55, %add3A_56 : i32
        %mul3A_58 = arith.constant 16 : i32
        %mul3A_59 = arith.muli %add3A_57, %mul3A_58 : i32
        %multiple_of3A_60 = tpu.assume_multiple %mul3A_59, 16 : i32
        %get3A_61 = arith.index_cast %multiple_of3A_60 : i32 to index
        %get3A_62 = tpu.vector_load %arg5[%get3A_61] {strides = array<i32>} : memref<16384xi32, #tpu.memory_space<vmem>>, vector<16xi32>,
        %add3A_63 = arith.addi %get3A_62, %broadcast_in_dim3A : vector<16xi32>
        %gather3A_64 = tpu.vector_load_idx %arg6[%add3A_63] : memref<38472xf32, #tpu.memory_space<vmem>>[vector<16xi32>], vector<16xf32>,
        %swap3A_65 = arith.index_cast %multiple_of3A_60 : i32 to index
        %swap3A_66 = tpu.vector_load %arg7[%swap3A_65] {strides = array<i32>} : memref<16384xf32, #tpu.memory_space<vmem>>, vector<16xf32>,
        tpu.vector_store %arg7[%swap3A_65], %gather3A_64 {strides = array<i32>} : memref<16384xf32, #tpu.memory_space<vmem>>, vector<16xf32>,
        %mul3A_67 = arith.constant 4 : i32
        %mul3A_68 = arith.muli %scan3A_30, %mul3A_67 : i32
        %add3A_69 = arith.constant 3 : i32
        %add3A_70 = arith.addi %mul3A_68, %add3A_69 : i32
        %mul3A_71 = arith.constant 16 : i32
        %mul3A_72 = arith.muli %add3A_70, %mul3A_71 : i32
        %multiple_of3A_73 = tpu.assume_multiple %mul3A_72, 16 : i32
        %get3A_74 = arith.index_cast %multiple_of3A_73 : i32 to index
        %get3A_75 = tpu.vector_load %arg5[%get3A_74] {strides = array<i32>} : memref<16384xi32, #tpu.memory_space<vmem>>, vector<16xi32>,
        %add3A_76 = arith.addi %get3A_75, %broadcast_in_dim3A : vector<16xi32>
        %gather3A_77 = tpu.vector_load_idx %arg6[%add3A_76] : memref<38472xf32, #tpu.memory_space<vmem>>[vector<16xi32>], vector<16xf32>,
        %swap3A_78 = arith.index_cast %multiple_of3A_73 : i32 to index
        %swap3A_79 = tpu.vector_load %arg7[%swap3A_78] {strides = array<i32>} : memref<16384xf32, #tpu.memory_space<vmem>>, vector<16xf32>,
        tpu.vector_store %arg7[%swap3A_78], %gather3A_77 {strides = array<i32>} : memref<16384xf32, #tpu.memory_space<vmem>>, vector<16xf32>,
      }
      %scan3A_29 = arith.constant 256 : i32
      "tpu.region"() ({
        %run_scoped3A = tpu.sem_alloc : memref<!tpu.dma_semaphore, #tpu.memory_space<semaphore_mem>>
        %dma_start3A_30 = arith.constant 0 : i32
        %dma_start3A_31 = tpu.memref_slice %arg4[%add3A, %dma_start3A_30] : memref<26x16384xf32, #tpu.memory_space<hbm>> -> memref<1x16384xf32, #tpu.memory_space<hbm>>
        %dma_start3A_32 = tpu.memref_squeeze %dma_start3A_31 : memref<1x16384xf32, #tpu.memory_space<hbm>> -> memref<16384xf32, #tpu.memory_space<hbm>>
        %dma_start3A_33 = arith.constant 0 : i32
        %dma_start3A_34 = tpu.memref_slice %arg4[%add3A, %dma_start3A_33] : memref<26x16384xf32, #tpu.memory_space<hbm>> -> memref<1x16384xf32, #tpu.memory_space<hbm>>
        %dma_start3A_35 = tpu.memref_squeeze %dma_start3A_34 : memref<1x16384xf32, #tpu.memory_space<hbm>> -> memref<16384xf32, #tpu.memory_space<hbm>>
        tpu.enqueue_dma source(%arg7 : memref<16384xf32, #tpu.memory_space<vmem>>) target(%dma_start3A_35 : memref<16384xf32, #tpu.memory_space<hbm>>) target_semaphore(%run_scoped3A : memref<!tpu.dma_semaphore, #tpu.memory_space<semaphore_mem>>)
        %dma_wait3A_36 = arith.constant 0 : i32
        %dma_wait3A_37 = tpu.memref_slice %arg4[%add3A, %dma_wait3A_36] : memref<26x16384xf32, #tpu.memory_space<hbm>> -> memref<1x16384xf32, #tpu.memory_space<hbm>>
        %dma_wait3A_38 = tpu.memref_squeeze %dma_wait3A_37 : memref<1x16384xf32, #tpu.memory_space<hbm>> -> memref<16384xf32, #tpu.memory_space<hbm>>
        %dma_wait3A_39 = arith.constant 0 : i32
        %dma_wait3A_40 = tpu.memref_slice %arg4[%add3A, %dma_wait3A_39] : memref<26x16384xf32, #tpu.memory_space<hbm>> -> memref<1x16384xf32, #tpu.memory_space<hbm>>
        %dma_wait3A_41 = tpu.memref_squeeze %dma_wait3A_40 : memref<1x16384xf32, #tpu.memory_space<hbm>> -> memref<16384xf32, #tpu.memory_space<hbm>>
        tpu.wait_dma2 semaphore(%run_scoped3A : memref<!tpu.dma_semaphore, #tpu.memory_space<semaphore_mem>>) src(%arg7 : memref<16384xf32, #tpu.memory_space<vmem>>) dst(%dma_wait3A_41 : memref<16384xf32, #tpu.memory_space<hbm>>)
        tpu.yield
      }) : () -> ()
    } else {
    }
    return
  }
}

#map = affine_map<(d0, d1) -> (0, 0)>
#map1 = affine_map<(d0, d1) -> (0)>
module attributes {stable_mosaic.version = 14 : i64} {
  func.func @_reduce_body(%arg0: i32, %arg1: i32, %arg2: memref<26x16384xf32, #tpu.memory_space<hbm>>, %arg3: memref<16xf32, #tpu.memory_space<hbm>>, %arg4: memref<16384xf32, #tpu.memory_space<hbm>>, %arg5: memref<13312xf32, #tpu.memory_space<vmem>>, %arg6: memref<512xf32, #tpu.memory_space<vmem>>, %arg7: memref<16xf32, #tpu.memory_space<vmem>>, %arg8: memref<!tpu.dma_semaphore, #tpu.memory_space<semaphore_mem>>) attributes {dimension_semantics = [#tpu.dimension_semantics<core_parallel>, #tpu.dimension_semantics<subcore_parallel>], iteration_bounds = array<i64: 2, 16>, scalar_prefetch = 0 : i64, scratch_operands = 4 : i64, tpu.core_type = #tpu.core_type<sc_vector_subcore>, window_params = [{transform_indices = #map}, {transform_indices = #map1}, {transform_indices = #map1}]} {
    %mul3A = arith.constant 2 : i32
    %mul3A_0 = arith.muli %arg1, %mul3A : i32
    %add3A = arith.addi %mul3A_0, %arg0 : i32
    %mul3A_1 = arith.constant 512 : i32
    %mul3A_2 = arith.muli %add3A, %mul3A_1 : i32
    %dma_start3A = arith.constant 0 : i32
    %dma_start3A_3 = arith.constant 0 : i32
    %dma_start3A_4 = tpu.memref_slice %arg5[%dma_start3A_3] : memref<13312xf32, #tpu.memory_space<vmem>> -> memref<512xf32, #tpu.memory_space<vmem>>
    %dma_start3A_5 = tpu.memref_slice %arg2[%dma_start3A, %mul3A_2] : memref<26x16384xf32, #tpu.memory_space<hbm>> -> memref<1x512xf32, #tpu.memory_space<hbm>>
    %dma_start3A_6 = tpu.memref_squeeze %dma_start3A_5 : memref<1x512xf32, #tpu.memory_space<hbm>> -> memref<512xf32, #tpu.memory_space<hbm>>
    %dma_start3A_7 = arith.constant 0 : i32
    %dma_start3A_8 = tpu.memref_slice %arg5[%dma_start3A_7] : memref<13312xf32, #tpu.memory_space<vmem>> -> memref<512xf32, #tpu.memory_space<vmem>>
    %dma_start3A_9 = tpu.memref_slice %arg2[%dma_start3A, %mul3A_2] : memref<26x16384xf32, #tpu.memory_space<hbm>> -> memref<1x512xf32, #tpu.memory_space<hbm>>
    %dma_start3A_10 = tpu.memref_squeeze %dma_start3A_9 : memref<1x512xf32, #tpu.memory_space<hbm>> -> memref<512xf32, #tpu.memory_space<hbm>>
    tpu.enqueue_dma source(%dma_start3A_10 : memref<512xf32, #tpu.memory_space<hbm>>) target(%dma_start3A_8 : memref<512xf32, #tpu.memory_space<vmem>>) target_semaphore(%arg8 : memref<!tpu.dma_semaphore, #tpu.memory_space<semaphore_mem>>)
    %dma_start3A_11 = arith.constant 1 : i32
    %dma_start3A_12 = arith.constant 512 : i32
    %dma_start3A_13 = tpu.memref_slice %arg5[%dma_start3A_12] : memref<13312xf32, #tpu.memory_space<vmem>> -> memref<512xf32, #tpu.memory_space<vmem>>
    %dma_start3A_14 = tpu.memref_slice %arg2[%dma_start3A_11, %mul3A_2] : memref<26x16384xf32, #tpu.memory_space<hbm>> -> memref<1x512xf32, #tpu.memory_space<hbm>>
    %dma_start3A_15 = tpu.memref_squeeze %dma_start3A_14 : memref<1x512xf32, #tpu.memory_space<hbm>> -> memref<512xf32, #tpu.memory_space<hbm>>
    %dma_start3A_16 = arith.constant 512 : i32
    %dma_start3A_17 = tpu.memref_slice %arg5[%dma_start3A_16] : memref<13312xf32, #tpu.memory_space<vmem>> -> memref<512xf32, #tpu.memory_space<vmem>>
    %dma_start3A_18 = tpu.memref_slice %arg2[%dma_start3A_11, %mul3A_2] : memref<26x16384xf32, #tpu.memory_space<hbm>> -> memref<1x512xf32, #tpu.memory_space<hbm>>
    %dma_start3A_19 = tpu.memref_squeeze %dma_start3A_18 : memref<1x512xf32, #tpu.memory_space<hbm>> -> memref<512xf32, #tpu.memory_space<hbm>>
    tpu.enqueue_dma source(%dma_start3A_19 : memref<512xf32, #tpu.memory_space<hbm>>) target(%dma_start3A_17 : memref<512xf32, #tpu.memory_space<vmem>>) target_semaphore(%arg8 : memref<!tpu.dma_semaphore, #tpu.memory_space<semaphore_mem>>)
    %dma_start3A_20 = arith.constant 2 : i32
    %dma_start3A_21 = arith.constant 1024 : i32
    %dma_start3A_22 = tpu.memref_slice %arg5[%dma_start3A_21] : memref<13312xf32, #tpu.memory_space<vmem>> -> memref<512xf32, #tpu.memory_space<vmem>>
    %dma_start3A_23 = tpu.memref_slice %arg2[%dma_start3A_20, %mul3A_2] : memref<26x16384xf32, #tpu.memory_space<hbm>> -> memref<1x512xf32, #tpu.memory_space<hbm>>
    %dma_start3A_24 = tpu.memref_squeeze %dma_start3A_23 : memref<1x512xf32, #tpu.memory_space<hbm>> -> memref<512xf32, #tpu.memory_space<hbm>>
    %dma_start3A_25 = arith.constant 1024 : i32
    %dma_start3A_26 = tpu.memref_slice %arg5[%dma_start3A_25] : memref<13312xf32, #tpu.memory_space<vmem>> -> memref<512xf32, #tpu.memory_space<vmem>>
    %dma_start3A_27 = tpu.memref_slice %arg2[%dma_start3A_20, %mul3A_2] : memref<26x16384xf32, #tpu.memory_space<hbm>> -> memref<1x512xf32, #tpu.memory_space<hbm>>
    %dma_start3A_28 = tpu.memref_squeeze %dma_start3A_27 : memref<1x512xf32, #tpu.memory_space<hbm>> -> memref<512xf32, #tpu.memory_space<hbm>>
    tpu.enqueue_dma source(%dma_start3A_28 : memref<512xf32, #tpu.memory_space<hbm>>) target(%dma_start3A_26 : memref<512xf32, #tpu.memory_space<vmem>>) target_semaphore(%arg8 : memref<!tpu.dma_semaphore, #tpu.memory_space<semaphore_mem>>)
    %dma_start3A_29 = arith.constant 3 : i32
    %dma_start3A_30 = arith.constant 1536 : i32
    %dma_start3A_31 = tpu.memref_slice %arg5[%dma_start3A_30] : memref<13312xf32, #tpu.memory_space<vmem>> -> memref<512xf32, #tpu.memory_space<vmem>>
    %dma_start3A_32 = tpu.memref_slice %arg2[%dma_start3A_29, %mul3A_2] : memref<26x16384xf32, #tpu.memory_space<hbm>> -> memref<1x512xf32, #tpu.memory_space<hbm>>
    %dma_start3A_33 = tpu.memref_squeeze %dma_start3A_32 : memref<1x512xf32, #tpu.memory_space<hbm>> -> memref<512xf32, #tpu.memory_space<hbm>>
    %dma_start3A_34 = arith.constant 1536 : i32
    %dma_start3A_35 = tpu.memref_slice %arg5[%dma_start3A_34] : memref<13312xf32, #tpu.memory_space<vmem>> -> memref<512xf32, #tpu.memory_space<vmem>>
    %dma_start3A_36 = tpu.memref_slice %arg2[%dma_start3A_29, %mul3A_2] : memref<26x16384xf32, #tpu.memory_space<hbm>> -> memref<1x512xf32, #tpu.memory_space<hbm>>
    %dma_start3A_37 = tpu.memref_squeeze %dma_start3A_36 : memref<1x512xf32, #tpu.memory_space<hbm>> -> memref<512xf32, #tpu.memory_space<hbm>>
    tpu.enqueue_dma source(%dma_start3A_37 : memref<512xf32, #tpu.memory_space<hbm>>) target(%dma_start3A_35 : memref<512xf32, #tpu.memory_space<vmem>>) target_semaphore(%arg8 : memref<!tpu.dma_semaphore, #tpu.memory_space<semaphore_mem>>)
    %dma_start3A_38 = arith.constant 4 : i32
    %dma_start3A_39 = arith.constant 2048 : i32
    %dma_start3A_40 = tpu.memref_slice %arg5[%dma_start3A_39] : memref<13312xf32, #tpu.memory_space<vmem>> -> memref<512xf32, #tpu.memory_space<vmem>>
    %dma_start3A_41 = tpu.memref_slice %arg2[%dma_start3A_38, %mul3A_2] : memref<26x16384xf32, #tpu.memory_space<hbm>> -> memref<1x512xf32, #tpu.memory_space<hbm>>
    %dma_start3A_42 = tpu.memref_squeeze %dma_start3A_41 : memref<1x512xf32, #tpu.memory_space<hbm>> -> memref<512xf32, #tpu.memory_space<hbm>>
    %dma_start3A_43 = arith.constant 2048 : i32
    %dma_start3A_44 = tpu.memref_slice %arg5[%dma_start3A_43] : memref<13312xf32, #tpu.memory_space<vmem>> -> memref<512xf32, #tpu.memory_space<vmem>>
    %dma_start3A_45 = tpu.memref_slice %arg2[%dma_start3A_38, %mul3A_2] : memref<26x16384xf32, #tpu.memory_space<hbm>> -> memref<1x512xf32, #tpu.memory_space<hbm>>
    %dma_start3A_46 = tpu.memref_squeeze %dma_start3A_45 : memref<1x512xf32, #tpu.memory_space<hbm>> -> memref<512xf32, #tpu.memory_space<hbm>>
    tpu.enqueue_dma source(%dma_start3A_46 : memref<512xf32, #tpu.memory_space<hbm>>) target(%dma_start3A_44 : memref<512xf32, #tpu.memory_space<vmem>>) target_semaphore(%arg8 : memref<!tpu.dma_semaphore, #tpu.memory_space<semaphore_mem>>)
    %dma_start3A_47 = arith.constant 5 : i32
    %dma_start3A_48 = arith.constant 2560 : i32
    %dma_start3A_49 = tpu.memref_slice %arg5[%dma_start3A_48] : memref<13312xf32, #tpu.memory_space<vmem>> -> memref<512xf32, #tpu.memory_space<vmem>>
    %dma_start3A_50 = tpu.memref_slice %arg2[%dma_start3A_47, %mul3A_2] : memref<26x16384xf32, #tpu.memory_space<hbm>> -> memref<1x512xf32, #tpu.memory_space<hbm>>
    %dma_start3A_51 = tpu.memref_squeeze %dma_start3A_50 : memref<1x512xf32, #tpu.memory_space<hbm>> -> memref<512xf32, #tpu.memory_space<hbm>>
    %dma_start3A_52 = arith.constant 2560 : i32
    %dma_start3A_53 = tpu.memref_slice %arg5[%dma_start3A_52] : memref<13312xf32, #tpu.memory_space<vmem>> -> memref<512xf32, #tpu.memory_space<vmem>>
    %dma_start3A_54 = tpu.memref_slice %arg2[%dma_start3A_47, %mul3A_2] : memref<26x16384xf32, #tpu.memory_space<hbm>> -> memref<1x512xf32, #tpu.memory_space<hbm>>
    %dma_start3A_55 = tpu.memref_squeeze %dma_start3A_54 : memref<1x512xf32, #tpu.memory_space<hbm>> -> memref<512xf32, #tpu.memory_space<hbm>>
    tpu.enqueue_dma source(%dma_start3A_55 : memref<512xf32, #tpu.memory_space<hbm>>) target(%dma_start3A_53 : memref<512xf32, #tpu.memory_space<vmem>>) target_semaphore(%arg8 : memref<!tpu.dma_semaphore, #tpu.memory_space<semaphore_mem>>)
    %dma_start3A_56 = arith.constant 6 : i32
    %dma_start3A_57 = arith.constant 3072 : i32
    %dma_start3A_58 = tpu.memref_slice %arg5[%dma_start3A_57] : memref<13312xf32, #tpu.memory_space<vmem>> -> memref<512xf32, #tpu.memory_space<vmem>>
    %dma_start3A_59 = tpu.memref_slice %arg2[%dma_start3A_56, %mul3A_2] : memref<26x16384xf32, #tpu.memory_space<hbm>> -> memref<1x512xf32, #tpu.memory_space<hbm>>
    %dma_start3A_60 = tpu.memref_squeeze %dma_start3A_59 : memref<1x512xf32, #tpu.memory_space<hbm>> -> memref<512xf32, #tpu.memory_space<hbm>>
    %dma_start3A_61 = arith.constant 3072 : i32
    %dma_start3A_62 = tpu.memref_slice %arg5[%dma_start3A_61] : memref<13312xf32, #tpu.memory_space<vmem>> -> memref<512xf32, #tpu.memory_space<vmem>>
    %dma_start3A_63 = tpu.memref_slice %arg2[%dma_start3A_56, %mul3A_2] : memref<26x16384xf32, #tpu.memory_space<hbm>> -> memref<1x512xf32, #tpu.memory_space<hbm>>
    %dma_start3A_64 = tpu.memref_squeeze %dma_start3A_63 : memref<1x512xf32, #tpu.memory_space<hbm>> -> memref<512xf32, #tpu.memory_space<hbm>>
    tpu.enqueue_dma source(%dma_start3A_64 : memref<512xf32, #tpu.memory_space<hbm>>) target(%dma_start3A_62 : memref<512xf32, #tpu.memory_space<vmem>>) target_semaphore(%arg8 : memref<!tpu.dma_semaphore, #tpu.memory_space<semaphore_mem>>)
    %dma_start3A_65 = arith.constant 7 : i32
    %dma_start3A_66 = arith.constant 3584 : i32
    %dma_start3A_67 = tpu.memref_slice %arg5[%dma_start3A_66] : memref<13312xf32, #tpu.memory_space<vmem>> -> memref<512xf32, #tpu.memory_space<vmem>>
    %dma_start3A_68 = tpu.memref_slice %arg2[%dma_start3A_65, %mul3A_2] : memref<26x16384xf32, #tpu.memory_space<hbm>> -> memref<1x512xf32, #tpu.memory_space<hbm>>
    %dma_start3A_69 = tpu.memref_squeeze %dma_start3A_68 : memref<1x512xf32, #tpu.memory_space<hbm>> -> memref<512xf32, #tpu.memory_space<hbm>>
    %dma_start3A_70 = arith.constant 3584 : i32
    %dma_start3A_71 = tpu.memref_slice %arg5[%dma_start3A_70] : memref<13312xf32, #tpu.memory_space<vmem>> -> memref<512xf32, #tpu.memory_space<vmem>>
    %dma_start3A_72 = tpu.memref_slice %arg2[%dma_start3A_65, %mul3A_2] : memref<26x16384xf32, #tpu.memory_space<hbm>> -> memref<1x512xf32, #tpu.memory_space<hbm>>
    %dma_start3A_73 = tpu.memref_squeeze %dma_start3A_72 : memref<1x512xf32, #tpu.memory_space<hbm>> -> memref<512xf32, #tpu.memory_space<hbm>>
    tpu.enqueue_dma source(%dma_start3A_73 : memref<512xf32, #tpu.memory_space<hbm>>) target(%dma_start3A_71 : memref<512xf32, #tpu.memory_space<vmem>>) target_semaphore(%arg8 : memref<!tpu.dma_semaphore, #tpu.memory_space<semaphore_mem>>)
    %dma_start3A_74 = arith.constant 8 : i32
    %dma_start3A_75 = arith.constant 4096 : i32
    %dma_start3A_76 = tpu.memref_slice %arg5[%dma_start3A_75] : memref<13312xf32, #tpu.memory_space<vmem>> -> memref<512xf32, #tpu.memory_space<vmem>>
    %dma_start3A_77 = tpu.memref_slice %arg2[%dma_start3A_74, %mul3A_2] : memref<26x16384xf32, #tpu.memory_space<hbm>> -> memref<1x512xf32, #tpu.memory_space<hbm>>
    %dma_start3A_78 = tpu.memref_squeeze %dma_start3A_77 : memref<1x512xf32, #tpu.memory_space<hbm>> -> memref<512xf32, #tpu.memory_space<hbm>>
    %dma_start3A_79 = arith.constant 4096 : i32
    %dma_start3A_80 = tpu.memref_slice %arg5[%dma_start3A_79] : memref<13312xf32, #tpu.memory_space<vmem>> -> memref<512xf32, #tpu.memory_space<vmem>>
    %dma_start3A_81 = tpu.memref_slice %arg2[%dma_start3A_74, %mul3A_2] : memref<26x16384xf32, #tpu.memory_space<hbm>> -> memref<1x512xf32, #tpu.memory_space<hbm>>
    %dma_start3A_82 = tpu.memref_squeeze %dma_start3A_81 : memref<1x512xf32, #tpu.memory_space<hbm>> -> memref<512xf32, #tpu.memory_space<hbm>>
    tpu.enqueue_dma source(%dma_start3A_82 : memref<512xf32, #tpu.memory_space<hbm>>) target(%dma_start3A_80 : memref<512xf32, #tpu.memory_space<vmem>>) target_semaphore(%arg8 : memref<!tpu.dma_semaphore, #tpu.memory_space<semaphore_mem>>)
    %dma_start3A_83 = arith.constant 9 : i32
    %dma_start3A_84 = arith.constant 4608 : i32
    %dma_start3A_85 = tpu.memref_slice %arg5[%dma_start3A_84] : memref<13312xf32, #tpu.memory_space<vmem>> -> memref<512xf32, #tpu.memory_space<vmem>>
    %dma_start3A_86 = tpu.memref_slice %arg2[%dma_start3A_83, %mul3A_2] : memref<26x16384xf32, #tpu.memory_space<hbm>> -> memref<1x512xf32, #tpu.memory_space<hbm>>
    %dma_start3A_87 = tpu.memref_squeeze %dma_start3A_86 : memref<1x512xf32, #tpu.memory_space<hbm>> -> memref<512xf32, #tpu.memory_space<hbm>>
    %dma_start3A_88 = arith.constant 4608 : i32
    %dma_start3A_89 = tpu.memref_slice %arg5[%dma_start3A_88] : memref<13312xf32, #tpu.memory_space<vmem>> -> memref<512xf32, #tpu.memory_space<vmem>>
    %dma_start3A_90 = tpu.memref_slice %arg2[%dma_start3A_83, %mul3A_2] : memref<26x16384xf32, #tpu.memory_space<hbm>> -> memref<1x512xf32, #tpu.memory_space<hbm>>
    %dma_start3A_91 = tpu.memref_squeeze %dma_start3A_90 : memref<1x512xf32, #tpu.memory_space<hbm>> -> memref<512xf32, #tpu.memory_space<hbm>>
    tpu.enqueue_dma source(%dma_start3A_91 : memref<512xf32, #tpu.memory_space<hbm>>) target(%dma_start3A_89 : memref<512xf32, #tpu.memory_space<vmem>>) target_semaphore(%arg8 : memref<!tpu.dma_semaphore, #tpu.memory_space<semaphore_mem>>)
    %dma_start3A_92 = arith.constant 10 : i32
    %dma_start3A_93 = arith.constant 5120 : i32
    %dma_start3A_94 = tpu.memref_slice %arg5[%dma_start3A_93] : memref<13312xf32, #tpu.memory_space<vmem>> -> memref<512xf32, #tpu.memory_space<vmem>>
    %dma_start3A_95 = tpu.memref_slice %arg2[%dma_start3A_92, %mul3A_2] : memref<26x16384xf32, #tpu.memory_space<hbm>> -> memref<1x512xf32, #tpu.memory_space<hbm>>
    %dma_start3A_96 = tpu.memref_squeeze %dma_start3A_95 : memref<1x512xf32, #tpu.memory_space<hbm>> -> memref<512xf32, #tpu.memory_space<hbm>>
    %dma_start3A_97 = arith.constant 5120 : i32
    %dma_start3A_98 = tpu.memref_slice %arg5[%dma_start3A_97] : memref<13312xf32, #tpu.memory_space<vmem>> -> memref<512xf32, #tpu.memory_space<vmem>>
    %dma_start3A_99 = tpu.memref_slice %arg2[%dma_start3A_92, %mul3A_2] : memref<26x16384xf32, #tpu.memory_space<hbm>> -> memref<1x512xf32, #tpu.memory_space<hbm>>
    %dma_start3A_100 = tpu.memref_squeeze %dma_start3A_99 : memref<1x512xf32, #tpu.memory_space<hbm>> -> memref<512xf32, #tpu.memory_space<hbm>>
    tpu.enqueue_dma source(%dma_start3A_100 : memref<512xf32, #tpu.memory_space<hbm>>) target(%dma_start3A_98 : memref<512xf32, #tpu.memory_space<vmem>>) target_semaphore(%arg8 : memref<!tpu.dma_semaphore, #tpu.memory_space<semaphore_mem>>)
    %dma_start3A_101 = arith.constant 11 : i32
    %dma_start3A_102 = arith.constant 5632 : i32
    %dma_start3A_103 = tpu.memref_slice %arg5[%dma_start3A_102] : memref<13312xf32, #tpu.memory_space<vmem>> -> memref<512xf32, #tpu.memory_space<vmem>>
    %dma_start3A_104 = tpu.memref_slice %arg2[%dma_start3A_101, %mul3A_2] : memref<26x16384xf32, #tpu.memory_space<hbm>> -> memref<1x512xf32, #tpu.memory_space<hbm>>
    %dma_start3A_105 = tpu.memref_squeeze %dma_start3A_104 : memref<1x512xf32, #tpu.memory_space<hbm>> -> memref<512xf32, #tpu.memory_space<hbm>>
    %dma_start3A_106 = arith.constant 5632 : i32
    %dma_start3A_107 = tpu.memref_slice %arg5[%dma_start3A_106] : memref<13312xf32, #tpu.memory_space<vmem>> -> memref<512xf32, #tpu.memory_space<vmem>>
    %dma_start3A_108 = tpu.memref_slice %arg2[%dma_start3A_101, %mul3A_2] : memref<26x16384xf32, #tpu.memory_space<hbm>> -> memref<1x512xf32, #tpu.memory_space<hbm>>
    %dma_start3A_109 = tpu.memref_squeeze %dma_start3A_108 : memref<1x512xf32, #tpu.memory_space<hbm>> -> memref<512xf32, #tpu.memory_space<hbm>>
    tpu.enqueue_dma source(%dma_start3A_109 : memref<512xf32, #tpu.memory_space<hbm>>) target(%dma_start3A_107 : memref<512xf32, #tpu.memory_space<vmem>>) target_semaphore(%arg8 : memref<!tpu.dma_semaphore, #tpu.memory_space<semaphore_mem>>)
    %dma_start3A_110 = arith.constant 12 : i32
    %dma_start3A_111 = arith.constant 6144 : i32
    %dma_start3A_112 = tpu.memref_slice %arg5[%dma_start3A_111] : memref<13312xf32, #tpu.memory_space<vmem>> -> memref<512xf32, #tpu.memory_space<vmem>>
    %dma_start3A_113 = tpu.memref_slice %arg2[%dma_start3A_110, %mul3A_2] : memref<26x16384xf32, #tpu.memory_space<hbm>> -> memref<1x512xf32, #tpu.memory_space<hbm>>
    %dma_start3A_114 = tpu.memref_squeeze %dma_start3A_113 : memref<1x512xf32, #tpu.memory_space<hbm>> -> memref<512xf32, #tpu.memory_space<hbm>>
    %dma_start3A_115 = arith.constant 6144 : i32
    %dma_start3A_116 = tpu.memref_slice %arg5[%dma_start3A_115] : memref<13312xf32, #tpu.memory_space<vmem>> -> memref<512xf32, #tpu.memory_space<vmem>>
    %dma_start3A_117 = tpu.memref_slice %arg2[%dma_start3A_110, %mul3A_2] : memref<26x16384xf32, #tpu.memory_space<hbm>> -> memref<1x512xf32, #tpu.memory_space<hbm>>
    %dma_start3A_118 = tpu.memref_squeeze %dma_start3A_117 : memref<1x512xf32, #tpu.memory_space<hbm>> -> memref<512xf32, #tpu.memory_space<hbm>>
    tpu.enqueue_dma source(%dma_start3A_118 : memref<512xf32, #tpu.memory_space<hbm>>) target(%dma_start3A_116 : memref<512xf32, #tpu.memory_space<vmem>>) target_semaphore(%arg8 : memref<!tpu.dma_semaphore, #tpu.memory_space<semaphore_mem>>)
    %dma_start3A_119 = arith.constant 13 : i32
    %dma_start3A_120 = arith.constant 6656 : i32
    %dma_start3A_121 = tpu.memref_slice %arg5[%dma_start3A_120] : memref<13312xf32, #tpu.memory_space<vmem>> -> memref<512xf32, #tpu.memory_space<vmem>>
    %dma_start3A_122 = tpu.memref_slice %arg2[%dma_start3A_119, %mul3A_2] : memref<26x16384xf32, #tpu.memory_space<hbm>> -> memref<1x512xf32, #tpu.memory_space<hbm>>
    %dma_start3A_123 = tpu.memref_squeeze %dma_start3A_122 : memref<1x512xf32, #tpu.memory_space<hbm>> -> memref<512xf32, #tpu.memory_space<hbm>>
    %dma_start3A_124 = arith.constant 6656 : i32
    %dma_start3A_125 = tpu.memref_slice %arg5[%dma_start3A_124] : memref<13312xf32, #tpu.memory_space<vmem>> -> memref<512xf32, #tpu.memory_space<vmem>>
    %dma_start3A_126 = tpu.memref_slice %arg2[%dma_start3A_119, %mul3A_2] : memref<26x16384xf32, #tpu.memory_space<hbm>> -> memref<1x512xf32, #tpu.memory_space<hbm>>
    %dma_start3A_127 = tpu.memref_squeeze %dma_start3A_126 : memref<1x512xf32, #tpu.memory_space<hbm>> -> memref<512xf32, #tpu.memory_space<hbm>>
    tpu.enqueue_dma source(%dma_start3A_127 : memref<512xf32, #tpu.memory_space<hbm>>) target(%dma_start3A_125 : memref<512xf32, #tpu.memory_space<vmem>>) target_semaphore(%arg8 : memref<!tpu.dma_semaphore, #tpu.memory_space<semaphore_mem>>)
    %dma_start3A_128 = arith.constant 14 : i32
    %dma_start3A_129 = arith.constant 7168 : i32
    %dma_start3A_130 = tpu.memref_slice %arg5[%dma_start3A_129] : memref<13312xf32, #tpu.memory_space<vmem>> -> memref<512xf32, #tpu.memory_space<vmem>>
    %dma_start3A_131 = tpu.memref_slice %arg2[%dma_start3A_128, %mul3A_2] : memref<26x16384xf32, #tpu.memory_space<hbm>> -> memref<1x512xf32, #tpu.memory_space<hbm>>
    %dma_start3A_132 = tpu.memref_squeeze %dma_start3A_131 : memref<1x512xf32, #tpu.memory_space<hbm>> -> memref<512xf32, #tpu.memory_space<hbm>>
    %dma_start3A_133 = arith.constant 7168 : i32
    %dma_start3A_134 = tpu.memref_slice %arg5[%dma_start3A_133] : memref<13312xf32, #tpu.memory_space<vmem>> -> memref<512xf32, #tpu.memory_space<vmem>>
    %dma_start3A_135 = tpu.memref_slice %arg2[%dma_start3A_128, %mul3A_2] : memref<26x16384xf32, #tpu.memory_space<hbm>> -> memref<1x512xf32, #tpu.memory_space<hbm>>
    %dma_start3A_136 = tpu.memref_squeeze %dma_start3A_135 : memref<1x512xf32, #tpu.memory_space<hbm>> -> memref<512xf32, #tpu.memory_space<hbm>>
    tpu.enqueue_dma source(%dma_start3A_136 : memref<512xf32, #tpu.memory_space<hbm>>) target(%dma_start3A_134 : memref<512xf32, #tpu.memory_space<vmem>>) target_semaphore(%arg8 : memref<!tpu.dma_semaphore, #tpu.memory_space<semaphore_mem>>)
    %dma_start3A_137 = arith.constant 15 : i32
    %dma_start3A_138 = arith.constant 7680 : i32
    %dma_start3A_139 = tpu.memref_slice %arg5[%dma_start3A_138] : memref<13312xf32, #tpu.memory_space<vmem>> -> memref<512xf32, #tpu.memory_space<vmem>>
    %dma_start3A_140 = tpu.memref_slice %arg2[%dma_start3A_137, %mul3A_2] : memref<26x16384xf32, #tpu.memory_space<hbm>> -> memref<1x512xf32, #tpu.memory_space<hbm>>
    %dma_start3A_141 = tpu.memref_squeeze %dma_start3A_140 : memref<1x512xf32, #tpu.memory_space<hbm>> -> memref<512xf32, #tpu.memory_space<hbm>>
    %dma_start3A_142 = arith.constant 7680 : i32
    %dma_start3A_143 = tpu.memref_slice %arg5[%dma_start3A_142] : memref<13312xf32, #tpu.memory_space<vmem>> -> memref<512xf32, #tpu.memory_space<vmem>>
    %dma_start3A_144 = tpu.memref_slice %arg2[%dma_start3A_137, %mul3A_2] : memref<26x16384xf32, #tpu.memory_space<hbm>> -> memref<1x512xf32, #tpu.memory_space<hbm>>
    %dma_start3A_145 = tpu.memref_squeeze %dma_start3A_144 : memref<1x512xf32, #tpu.memory_space<hbm>> -> memref<512xf32, #tpu.memory_space<hbm>>
    tpu.enqueue_dma source(%dma_start3A_145 : memref<512xf32, #tpu.memory_space<hbm>>) target(%dma_start3A_143 : memref<512xf32, #tpu.memory_space<vmem>>) target_semaphore(%arg8 : memref<!tpu.dma_semaphore, #tpu.memory_space<semaphore_mem>>)
    %dma_start3A_146 = arith.constant 16 : i32
    %dma_start3A_147 = arith.constant 8192 : i32
    %dma_start3A_148 = tpu.memref_slice %arg5[%dma_start3A_147] : memref<13312xf32, #tpu.memory_space<vmem>> -> memref<512xf32, #tpu.memory_space<vmem>>
    %dma_start3A_149 = tpu.memref_slice %arg2[%dma_start3A_146, %mul3A_2] : memref<26x16384xf32, #tpu.memory_space<hbm>> -> memref<1x512xf32, #tpu.memory_space<hbm>>
    %dma_start3A_150 = tpu.memref_squeeze %dma_start3A_149 : memref<1x512xf32, #tpu.memory_space<hbm>> -> memref<512xf32, #tpu.memory_space<hbm>>
    %dma_start3A_151 = arith.constant 8192 : i32
    %dma_start3A_152 = tpu.memref_slice %arg5[%dma_start3A_151] : memref<13312xf32, #tpu.memory_space<vmem>> -> memref<512xf32, #tpu.memory_space<vmem>>
    %dma_start3A_153 = tpu.memref_slice %arg2[%dma_start3A_146, %mul3A_2] : memref<26x16384xf32, #tpu.memory_space<hbm>> -> memref<1x512xf32, #tpu.memory_space<hbm>>
    %dma_start3A_154 = tpu.memref_squeeze %dma_start3A_153 : memref<1x512xf32, #tpu.memory_space<hbm>> -> memref<512xf32, #tpu.memory_space<hbm>>
    tpu.enqueue_dma source(%dma_start3A_154 : memref<512xf32, #tpu.memory_space<hbm>>) target(%dma_start3A_152 : memref<512xf32, #tpu.memory_space<vmem>>) target_semaphore(%arg8 : memref<!tpu.dma_semaphore, #tpu.memory_space<semaphore_mem>>)
    %dma_start3A_155 = arith.constant 17 : i32
    %dma_start3A_156 = arith.constant 8704 : i32
    %dma_start3A_157 = tpu.memref_slice %arg5[%dma_start3A_156] : memref<13312xf32, #tpu.memory_space<vmem>> -> memref<512xf32, #tpu.memory_space<vmem>>
    %dma_start3A_158 = tpu.memref_slice %arg2[%dma_start3A_155, %mul3A_2] : memref<26x16384xf32, #tpu.memory_space<hbm>> -> memref<1x512xf32, #tpu.memory_space<hbm>>
    %dma_start3A_159 = tpu.memref_squeeze %dma_start3A_158 : memref<1x512xf32, #tpu.memory_space<hbm>> -> memref<512xf32, #tpu.memory_space<hbm>>
    %dma_start3A_160 = arith.constant 8704 : i32
    %dma_start3A_161 = tpu.memref_slice %arg5[%dma_start3A_160] : memref<13312xf32, #tpu.memory_space<vmem>> -> memref<512xf32, #tpu.memory_space<vmem>>
    %dma_start3A_162 = tpu.memref_slice %arg2[%dma_start3A_155, %mul3A_2] : memref<26x16384xf32, #tpu.memory_space<hbm>> -> memref<1x512xf32, #tpu.memory_space<hbm>>
    %dma_start3A_163 = tpu.memref_squeeze %dma_start3A_162 : memref<1x512xf32, #tpu.memory_space<hbm>> -> memref<512xf32, #tpu.memory_space<hbm>>
    tpu.enqueue_dma source(%dma_start3A_163 : memref<512xf32, #tpu.memory_space<hbm>>) target(%dma_start3A_161 : memref<512xf32, #tpu.memory_space<vmem>>) target_semaphore(%arg8 : memref<!tpu.dma_semaphore, #tpu.memory_space<semaphore_mem>>)
    %dma_start3A_164 = arith.constant 18 : i32
    %dma_start3A_165 = arith.constant 9216 : i32
    %dma_start3A_166 = tpu.memref_slice %arg5[%dma_start3A_165] : memref<13312xf32, #tpu.memory_space<vmem>> -> memref<512xf32, #tpu.memory_space<vmem>>
    %dma_start3A_167 = tpu.memref_slice %arg2[%dma_start3A_164, %mul3A_2] : memref<26x16384xf32, #tpu.memory_space<hbm>> -> memref<1x512xf32, #tpu.memory_space<hbm>>
    %dma_start3A_168 = tpu.memref_squeeze %dma_start3A_167 : memref<1x512xf32, #tpu.memory_space<hbm>> -> memref<512xf32, #tpu.memory_space<hbm>>
    %dma_start3A_169 = arith.constant 9216 : i32
    %dma_start3A_170 = tpu.memref_slice %arg5[%dma_start3A_169] : memref<13312xf32, #tpu.memory_space<vmem>> -> memref<512xf32, #tpu.memory_space<vmem>>
    %dma_start3A_171 = tpu.memref_slice %arg2[%dma_start3A_164, %mul3A_2] : memref<26x16384xf32, #tpu.memory_space<hbm>> -> memref<1x512xf32, #tpu.memory_space<hbm>>
    %dma_start3A_172 = tpu.memref_squeeze %dma_start3A_171 : memref<1x512xf32, #tpu.memory_space<hbm>> -> memref<512xf32, #tpu.memory_space<hbm>>
    tpu.enqueue_dma source(%dma_start3A_172 : memref<512xf32, #tpu.memory_space<hbm>>) target(%dma_start3A_170 : memref<512xf32, #tpu.memory_space<vmem>>) target_semaphore(%arg8 : memref<!tpu.dma_semaphore, #tpu.memory_space<semaphore_mem>>)
    %dma_start3A_173 = arith.constant 19 : i32
    %dma_start3A_174 = arith.constant 9728 : i32
    %dma_start3A_175 = tpu.memref_slice %arg5[%dma_start3A_174] : memref<13312xf32, #tpu.memory_space<vmem>> -> memref<512xf32, #tpu.memory_space<vmem>>
    %dma_start3A_176 = tpu.memref_slice %arg2[%dma_start3A_173, %mul3A_2] : memref<26x16384xf32, #tpu.memory_space<hbm>> -> memref<1x512xf32, #tpu.memory_space<hbm>>
    %dma_start3A_177 = tpu.memref_squeeze %dma_start3A_176 : memref<1x512xf32, #tpu.memory_space<hbm>> -> memref<512xf32, #tpu.memory_space<hbm>>
    %dma_start3A_178 = arith.constant 9728 : i32
    %dma_start3A_179 = tpu.memref_slice %arg5[%dma_start3A_178] : memref<13312xf32, #tpu.memory_space<vmem>> -> memref<512xf32, #tpu.memory_space<vmem>>
    %dma_start3A_180 = tpu.memref_slice %arg2[%dma_start3A_173, %mul3A_2] : memref<26x16384xf32, #tpu.memory_space<hbm>> -> memref<1x512xf32, #tpu.memory_space<hbm>>
    %dma_start3A_181 = tpu.memref_squeeze %dma_start3A_180 : memref<1x512xf32, #tpu.memory_space<hbm>> -> memref<512xf32, #tpu.memory_space<hbm>>
    tpu.enqueue_dma source(%dma_start3A_181 : memref<512xf32, #tpu.memory_space<hbm>>) target(%dma_start3A_179 : memref<512xf32, #tpu.memory_space<vmem>>) target_semaphore(%arg8 : memref<!tpu.dma_semaphore, #tpu.memory_space<semaphore_mem>>)
    %dma_start3A_182 = arith.constant 20 : i32
    %dma_start3A_183 = arith.constant 10240 : i32
    %dma_start3A_184 = tpu.memref_slice %arg5[%dma_start3A_183] : memref<13312xf32, #tpu.memory_space<vmem>> -> memref<512xf32, #tpu.memory_space<vmem>>
    %dma_start3A_185 = tpu.memref_slice %arg2[%dma_start3A_182, %mul3A_2] : memref<26x16384xf32, #tpu.memory_space<hbm>> -> memref<1x512xf32, #tpu.memory_space<hbm>>
    %dma_start3A_186 = tpu.memref_squeeze %dma_start3A_185 : memref<1x512xf32, #tpu.memory_space<hbm>> -> memref<512xf32, #tpu.memory_space<hbm>>
    %dma_start3A_187 = arith.constant 10240 : i32
    %dma_start3A_188 = tpu.memref_slice %arg5[%dma_start3A_187] : memref<13312xf32, #tpu.memory_space<vmem>> -> memref<512xf32, #tpu.memory_space<vmem>>
    %dma_start3A_189 = tpu.memref_slice %arg2[%dma_start3A_182, %mul3A_2] : memref<26x16384xf32, #tpu.memory_space<hbm>> -> memref<1x512xf32, #tpu.memory_space<hbm>>
    %dma_start3A_190 = tpu.memref_squeeze %dma_start3A_189 : memref<1x512xf32, #tpu.memory_space<hbm>> -> memref<512xf32, #tpu.memory_space<hbm>>
    tpu.enqueue_dma source(%dma_start3A_190 : memref<512xf32, #tpu.memory_space<hbm>>) target(%dma_start3A_188 : memref<512xf32, #tpu.memory_space<vmem>>) target_semaphore(%arg8 : memref<!tpu.dma_semaphore, #tpu.memory_space<semaphore_mem>>)
    %dma_start3A_191 = arith.constant 21 : i32
    %dma_start3A_192 = arith.constant 10752 : i32
    %dma_start3A_193 = tpu.memref_slice %arg5[%dma_start3A_192] : memref<13312xf32, #tpu.memory_space<vmem>> -> memref<512xf32, #tpu.memory_space<vmem>>
    %dma_start3A_194 = tpu.memref_slice %arg2[%dma_start3A_191, %mul3A_2] : memref<26x16384xf32, #tpu.memory_space<hbm>> -> memref<1x512xf32, #tpu.memory_space<hbm>>
    %dma_start3A_195 = tpu.memref_squeeze %dma_start3A_194 : memref<1x512xf32, #tpu.memory_space<hbm>> -> memref<512xf32, #tpu.memory_space<hbm>>
    %dma_start3A_196 = arith.constant 10752 : i32
    %dma_start3A_197 = tpu.memref_slice %arg5[%dma_start3A_196] : memref<13312xf32, #tpu.memory_space<vmem>> -> memref<512xf32, #tpu.memory_space<vmem>>
    %dma_start3A_198 = tpu.memref_slice %arg2[%dma_start3A_191, %mul3A_2] : memref<26x16384xf32, #tpu.memory_space<hbm>> -> memref<1x512xf32, #tpu.memory_space<hbm>>
    %dma_start3A_199 = tpu.memref_squeeze %dma_start3A_198 : memref<1x512xf32, #tpu.memory_space<hbm>> -> memref<512xf32, #tpu.memory_space<hbm>>
    tpu.enqueue_dma source(%dma_start3A_199 : memref<512xf32, #tpu.memory_space<hbm>>) target(%dma_start3A_197 : memref<512xf32, #tpu.memory_space<vmem>>) target_semaphore(%arg8 : memref<!tpu.dma_semaphore, #tpu.memory_space<semaphore_mem>>)
    %dma_start3A_200 = arith.constant 22 : i32
    %dma_start3A_201 = arith.constant 11264 : i32
    %dma_start3A_202 = tpu.memref_slice %arg5[%dma_start3A_201] : memref<13312xf32, #tpu.memory_space<vmem>> -> memref<512xf32, #tpu.memory_space<vmem>>
    %dma_start3A_203 = tpu.memref_slice %arg2[%dma_start3A_200, %mul3A_2] : memref<26x16384xf32, #tpu.memory_space<hbm>> -> memref<1x512xf32, #tpu.memory_space<hbm>>
    %dma_start3A_204 = tpu.memref_squeeze %dma_start3A_203 : memref<1x512xf32, #tpu.memory_space<hbm>> -> memref<512xf32, #tpu.memory_space<hbm>>
    %dma_start3A_205 = arith.constant 11264 : i32
    %dma_start3A_206 = tpu.memref_slice %arg5[%dma_start3A_205] : memref<13312xf32, #tpu.memory_space<vmem>> -> memref<512xf32, #tpu.memory_space<vmem>>
    %dma_start3A_207 = tpu.memref_slice %arg2[%dma_start3A_200, %mul3A_2] : memref<26x16384xf32, #tpu.memory_space<hbm>> -> memref<1x512xf32, #tpu.memory_space<hbm>>
    %dma_start3A_208 = tpu.memref_squeeze %dma_start3A_207 : memref<1x512xf32, #tpu.memory_space<hbm>> -> memref<512xf32, #tpu.memory_space<hbm>>
    tpu.enqueue_dma source(%dma_start3A_208 : memref<512xf32, #tpu.memory_space<hbm>>) target(%dma_start3A_206 : memref<512xf32, #tpu.memory_space<vmem>>) target_semaphore(%arg8 : memref<!tpu.dma_semaphore, #tpu.memory_space<semaphore_mem>>)
    %dma_start3A_209 = arith.constant 23 : i32
    %dma_start3A_210 = arith.constant 11776 : i32
    %dma_start3A_211 = tpu.memref_slice %arg5[%dma_start3A_210] : memref<13312xf32, #tpu.memory_space<vmem>> -> memref<512xf32, #tpu.memory_space<vmem>>
    %dma_start3A_212 = tpu.memref_slice %arg2[%dma_start3A_209, %mul3A_2] : memref<26x16384xf32, #tpu.memory_space<hbm>> -> memref<1x512xf32, #tpu.memory_space<hbm>>
    %dma_start3A_213 = tpu.memref_squeeze %dma_start3A_212 : memref<1x512xf32, #tpu.memory_space<hbm>> -> memref<512xf32, #tpu.memory_space<hbm>>
    %dma_start3A_214 = arith.constant 11776 : i32
    %dma_start3A_215 = tpu.memref_slice %arg5[%dma_start3A_214] : memref<13312xf32, #tpu.memory_space<vmem>> -> memref<512xf32, #tpu.memory_space<vmem>>
    %dma_start3A_216 = tpu.memref_slice %arg2[%dma_start3A_209, %mul3A_2] : memref<26x16384xf32, #tpu.memory_space<hbm>> -> memref<1x512xf32, #tpu.memory_space<hbm>>
    %dma_start3A_217 = tpu.memref_squeeze %dma_start3A_216 : memref<1x512xf32, #tpu.memory_space<hbm>> -> memref<512xf32, #tpu.memory_space<hbm>>
    tpu.enqueue_dma source(%dma_start3A_217 : memref<512xf32, #tpu.memory_space<hbm>>) target(%dma_start3A_215 : memref<512xf32, #tpu.memory_space<vmem>>) target_semaphore(%arg8 : memref<!tpu.dma_semaphore, #tpu.memory_space<semaphore_mem>>)
    %dma_start3A_218 = arith.constant 24 : i32
    %dma_start3A_219 = arith.constant 12288 : i32
    %dma_start3A_220 = tpu.memref_slice %arg5[%dma_start3A_219] : memref<13312xf32, #tpu.memory_space<vmem>> -> memref<512xf32, #tpu.memory_space<vmem>>
    %dma_start3A_221 = tpu.memref_slice %arg2[%dma_start3A_218, %mul3A_2] : memref<26x16384xf32, #tpu.memory_space<hbm>> -> memref<1x512xf32, #tpu.memory_space<hbm>>
    %dma_start3A_222 = tpu.memref_squeeze %dma_start3A_221 : memref<1x512xf32, #tpu.memory_space<hbm>> -> memref<512xf32, #tpu.memory_space<hbm>>
    %dma_start3A_223 = arith.constant 12288 : i32
    %dma_start3A_224 = tpu.memref_slice %arg5[%dma_start3A_223] : memref<13312xf32, #tpu.memory_space<vmem>> -> memref<512xf32, #tpu.memory_space<vmem>>
    %dma_start3A_225 = tpu.memref_slice %arg2[%dma_start3A_218, %mul3A_2] : memref<26x16384xf32, #tpu.memory_space<hbm>> -> memref<1x512xf32, #tpu.memory_space<hbm>>
    %dma_start3A_226 = tpu.memref_squeeze %dma_start3A_225 : memref<1x512xf32, #tpu.memory_space<hbm>> -> memref<512xf32, #tpu.memory_space<hbm>>
    tpu.enqueue_dma source(%dma_start3A_226 : memref<512xf32, #tpu.memory_space<hbm>>) target(%dma_start3A_224 : memref<512xf32, #tpu.memory_space<vmem>>) target_semaphore(%arg8 : memref<!tpu.dma_semaphore, #tpu.memory_space<semaphore_mem>>)
    %dma_start3A_227 = arith.constant 25 : i32
    %dma_start3A_228 = arith.constant 12800 : i32
    %dma_start3A_229 = tpu.memref_slice %arg5[%dma_start3A_228] : memref<13312xf32, #tpu.memory_space<vmem>> -> memref<512xf32, #tpu.memory_space<vmem>>
    %dma_start3A_230 = tpu.memref_slice %arg2[%dma_start3A_227, %mul3A_2] : memref<26x16384xf32, #tpu.memory_space<hbm>> -> memref<1x512xf32, #tpu.memory_space<hbm>>
    %dma_start3A_231 = tpu.memref_squeeze %dma_start3A_230 : memref<1x512xf32, #tpu.memory_space<hbm>> -> memref<512xf32, #tpu.memory_space<hbm>>
    %dma_start3A_232 = arith.constant 12800 : i32
    %dma_start3A_233 = tpu.memref_slice %arg5[%dma_start3A_232] : memref<13312xf32, #tpu.memory_space<vmem>> -> memref<512xf32, #tpu.memory_space<vmem>>
    %dma_start3A_234 = tpu.memref_slice %arg2[%dma_start3A_227, %mul3A_2] : memref<26x16384xf32, #tpu.memory_space<hbm>> -> memref<1x512xf32, #tpu.memory_space<hbm>>
    %dma_start3A_235 = tpu.memref_squeeze %dma_start3A_234 : memref<1x512xf32, #tpu.memory_space<hbm>> -> memref<512xf32, #tpu.memory_space<hbm>>
    tpu.enqueue_dma source(%dma_start3A_235 : memref<512xf32, #tpu.memory_space<hbm>>) target(%dma_start3A_233 : memref<512xf32, #tpu.memory_space<vmem>>) target_semaphore(%arg8 : memref<!tpu.dma_semaphore, #tpu.memory_space<semaphore_mem>>)
    "tpu.region"() ({
      %run_scoped3A = tpu.sem_alloc : memref<!tpu.dma_semaphore, #tpu.memory_space<semaphore_mem>>
      tpu.enqueue_dma source(%arg3 : memref<16xf32, #tpu.memory_space<hbm>>) target(%arg7 : memref<16xf32, #tpu.memory_space<vmem>>) target_semaphore(%run_scoped3A : memref<!tpu.dma_semaphore, #tpu.memory_space<semaphore_mem>>)
      tpu.wait_dma2 semaphore(%run_scoped3A : memref<!tpu.dma_semaphore, #tpu.memory_space<semaphore_mem>>) src(%arg3 : memref<16xf32, #tpu.memory_space<hbm>>) dst(%arg7 : memref<16xf32, #tpu.memory_space<vmem>>)
      tpu.yield
    }) : () -> ()
    %dma_wait3A = arith.constant 0 : i32
    %dma_wait3A_236 = arith.constant 0 : i32
    %dma_wait3A_237 = tpu.memref_slice %arg2[%dma_wait3A, %dma_wait3A_236] : memref<26x16384xf32, #tpu.memory_space<hbm>> -> memref<1x13312xf32, #tpu.memory_space<hbm>>
    %dma_wait3A_238 = tpu.memref_squeeze %dma_wait3A_237 : memref<1x13312xf32, #tpu.memory_space<hbm>> -> memref<13312xf32, #tpu.memory_space<hbm>>
    %dma_wait3A_239 = arith.constant 0 : i32
    %dma_wait3A_240 = tpu.memref_slice %arg2[%dma_wait3A, %dma_wait3A_239] : memref<26x16384xf32, #tpu.memory_space<hbm>> -> memref<1x13312xf32, #tpu.memory_space<hbm>>
    %dma_wait3A_241 = tpu.memref_squeeze %dma_wait3A_240 : memref<1x13312xf32, #tpu.memory_space<hbm>> -> memref<13312xf32, #tpu.memory_space<hbm>>
    tpu.wait_dma2 semaphore(%arg8 : memref<!tpu.dma_semaphore, #tpu.memory_space<semaphore_mem>>) src(%dma_wait3A_241 : memref<13312xf32, #tpu.memory_space<hbm>>) dst(%arg5 : memref<13312xf32, #tpu.memory_space<vmem>>)
    %get3A = arith.constant 0 : index
    %get3A_242 = tpu.vector_load %arg7[%get3A] {strides = array<i32>} : memref<16xf32, #tpu.memory_space<vmem>>, vector<16xf32>,
    %scan3A = arith.constant 0 : i32
    %scan3A_243 = arith.constant 0 : i32
    %scan3A_244 = arith.constant 32 : i32
    %scan3A_245 = arith.addi %scan3A_243, %scan3A_244 : i32
    %scan3A_246 = arith.constant 1 : i32
    scf.for %scan3A_250 = %scan3A_243 to %scan3A_245 step %scan3A_246  : i32 {
      %mul3A_251 = arith.constant 16 : i32
      %mul3A_252 = arith.muli %scan3A_250, %mul3A_251 : i32
      %multiple_of3A = tpu.assume_multiple %mul3A_252, 16 : i32
      %add3A_253 = arith.constant 0 : i32
      %add3A_254 = arith.addi %add3A_253, %multiple_of3A : i32
      %get3A_255 = arith.index_cast %add3A_254 : i32 to index
      %get3A_256 = tpu.vector_load %arg5[%get3A_255] {strides = array<i32>} : memref<13312xf32, #tpu.memory_space<vmem>>, vector<16xf32>,
      %add3A_257 = arith.addf %get3A_242, %get3A_256 : vector<16xf32>
      %add3A_258 = arith.constant 512 : i32
      %add3A_259 = arith.addi %add3A_258, %multiple_of3A : i32
      %get3A_260 = arith.index_cast %add3A_259 : i32 to index
      %get3A_261 = tpu.vector_load %arg5[%get3A_260] {strides = array<i32>} : memref<13312xf32, #tpu.memory_space<vmem>>, vector<16xf32>,
      %add3A_262 = arith.addf %add3A_257, %get3A_261 : vector<16xf32>
      %add3A_263 = arith.constant 1024 : i32
      %add3A_264 = arith.addi %add3A_263, %multiple_of3A : i32
      %get3A_265 = arith.index_cast %add3A_264 : i32 to index
      %get3A_266 = tpu.vector_load %arg5[%get3A_265] {strides = array<i32>} : memref<13312xf32, #tpu.memory_space<vmem>>, vector<16xf32>,
      %add3A_267 = arith.addf %add3A_262, %get3A_266 : vector<16xf32>
      %add3A_268 = arith.constant 1536 : i32
      %add3A_269 = arith.addi %add3A_268, %multiple_of3A : i32
      %get3A_270 = arith.index_cast %add3A_269 : i32 to index
      %get3A_271 = tpu.vector_load %arg5[%get3A_270] {strides = array<i32>} : memref<13312xf32, #tpu.memory_space<vmem>>, vector<16xf32>,
      %add3A_272 = arith.addf %add3A_267, %get3A_271 : vector<16xf32>
      %add3A_273 = arith.constant 2048 : i32
      %add3A_274 = arith.addi %add3A_273, %multiple_of3A : i32
      %get3A_275 = arith.index_cast %add3A_274 : i32 to index
      %get3A_276 = tpu.vector_load %arg5[%get3A_275] {strides = array<i32>} : memref<13312xf32, #tpu.memory_space<vmem>>, vector<16xf32>,
      %add3A_277 = arith.addf %add3A_272, %get3A_276 : vector<16xf32>
      %add3A_278 = arith.constant 2560 : i32
      %add3A_279 = arith.addi %add3A_278, %multiple_of3A : i32
      %get3A_280 = arith.index_cast %add3A_279 : i32 to index
      %get3A_281 = tpu.vector_load %arg5[%get3A_280] {strides = array<i32>} : memref<13312xf32, #tpu.memory_space<vmem>>, vector<16xf32>,
      %add3A_282 = arith.addf %add3A_277, %get3A_281 : vector<16xf32>
      %add3A_283 = arith.constant 3072 : i32
      %add3A_284 = arith.addi %add3A_283, %multiple_of3A : i32
      %get3A_285 = arith.index_cast %add3A_284 : i32 to index
      %get3A_286 = tpu.vector_load %arg5[%get3A_285] {strides = array<i32>} : memref<13312xf32, #tpu.memory_space<vmem>>, vector<16xf32>,
      %add3A_287 = arith.addf %add3A_282, %get3A_286 : vector<16xf32>
      %add3A_288 = arith.constant 3584 : i32
      %add3A_289 = arith.addi %add3A_288, %multiple_of3A : i32
      %get3A_290 = arith.index_cast %add3A_289 : i32 to index
      %get3A_291 = tpu.vector_load %arg5[%get3A_290] {strides = array<i32>} : memref<13312xf32, #tpu.memory_space<vmem>>, vector<16xf32>,
      %add3A_292 = arith.addf %add3A_287, %get3A_291 : vector<16xf32>
      %add3A_293 = arith.constant 4096 : i32
      %add3A_294 = arith.addi %add3A_293, %multiple_of3A : i32
      %get3A_295 = arith.index_cast %add3A_294 : i32 to index
      %get3A_296 = tpu.vector_load %arg5[%get3A_295] {strides = array<i32>} : memref<13312xf32, #tpu.memory_space<vmem>>, vector<16xf32>,
      %add3A_297 = arith.addf %add3A_292, %get3A_296 : vector<16xf32>
      %add3A_298 = arith.constant 4608 : i32
      %add3A_299 = arith.addi %add3A_298, %multiple_of3A : i32
      %get3A_300 = arith.index_cast %add3A_299 : i32 to index
      %get3A_301 = tpu.vector_load %arg5[%get3A_300] {strides = array<i32>} : memref<13312xf32, #tpu.memory_space<vmem>>, vector<16xf32>,
      %add3A_302 = arith.addf %add3A_297, %get3A_301 : vector<16xf32>
      %add3A_303 = arith.constant 5120 : i32
      %add3A_304 = arith.addi %add3A_303, %multiple_of3A : i32
      %get3A_305 = arith.index_cast %add3A_304 : i32 to index
      %get3A_306 = tpu.vector_load %arg5[%get3A_305] {strides = array<i32>} : memref<13312xf32, #tpu.memory_space<vmem>>, vector<16xf32>,
      %add3A_307 = arith.addf %add3A_302, %get3A_306 : vector<16xf32>
      %add3A_308 = arith.constant 5632 : i32
      %add3A_309 = arith.addi %add3A_308, %multiple_of3A : i32
      %get3A_310 = arith.index_cast %add3A_309 : i32 to index
      %get3A_311 = tpu.vector_load %arg5[%get3A_310] {strides = array<i32>} : memref<13312xf32, #tpu.memory_space<vmem>>, vector<16xf32>,
      %add3A_312 = arith.addf %add3A_307, %get3A_311 : vector<16xf32>
      %add3A_313 = arith.constant 6144 : i32
      %add3A_314 = arith.addi %add3A_313, %multiple_of3A : i32
      %get3A_315 = arith.index_cast %add3A_314 : i32 to index
      %get3A_316 = tpu.vector_load %arg5[%get3A_315] {strides = array<i32>} : memref<13312xf32, #tpu.memory_space<vmem>>, vector<16xf32>,
      %add3A_317 = arith.addf %add3A_312, %get3A_316 : vector<16xf32>
      %add3A_318 = arith.constant 6656 : i32
      %add3A_319 = arith.addi %add3A_318, %multiple_of3A : i32
      %get3A_320 = arith.index_cast %add3A_319 : i32 to index
      %get3A_321 = tpu.vector_load %arg5[%get3A_320] {strides = array<i32>} : memref<13312xf32, #tpu.memory_space<vmem>>, vector<16xf32>,
      %add3A_322 = arith.addf %add3A_317, %get3A_321 : vector<16xf32>
      %add3A_323 = arith.constant 7168 : i32
      %add3A_324 = arith.addi %add3A_323, %multiple_of3A : i32
      %get3A_325 = arith.index_cast %add3A_324 : i32 to index
      %get3A_326 = tpu.vector_load %arg5[%get3A_325] {strides = array<i32>} : memref<13312xf32, #tpu.memory_space<vmem>>, vector<16xf32>,
      %add3A_327 = arith.addf %add3A_322, %get3A_326 : vector<16xf32>
      %add3A_328 = arith.constant 7680 : i32
      %add3A_329 = arith.addi %add3A_328, %multiple_of3A : i32
      %get3A_330 = arith.index_cast %add3A_329 : i32 to index
      %get3A_331 = tpu.vector_load %arg5[%get3A_330] {strides = array<i32>} : memref<13312xf32, #tpu.memory_space<vmem>>, vector<16xf32>,
      %add3A_332 = arith.addf %add3A_327, %get3A_331 : vector<16xf32>
      %add3A_333 = arith.constant 8192 : i32
      %add3A_334 = arith.addi %add3A_333, %multiple_of3A : i32
      %get3A_335 = arith.index_cast %add3A_334 : i32 to index
      %get3A_336 = tpu.vector_load %arg5[%get3A_335] {strides = array<i32>} : memref<13312xf32, #tpu.memory_space<vmem>>, vector<16xf32>,
      %add3A_337 = arith.addf %add3A_332, %get3A_336 : vector<16xf32>
      %add3A_338 = arith.constant 8704 : i32
      %add3A_339 = arith.addi %add3A_338, %multiple_of3A : i32
      %get3A_340 = arith.index_cast %add3A_339 : i32 to index
      %get3A_341 = tpu.vector_load %arg5[%get3A_340] {strides = array<i32>} : memref<13312xf32, #tpu.memory_space<vmem>>, vector<16xf32>,
      %add3A_342 = arith.addf %add3A_337, %get3A_341 : vector<16xf32>
      %add3A_343 = arith.constant 9216 : i32
      %add3A_344 = arith.addi %add3A_343, %multiple_of3A : i32
      %get3A_345 = arith.index_cast %add3A_344 : i32 to index
      %get3A_346 = tpu.vector_load %arg5[%get3A_345] {strides = array<i32>} : memref<13312xf32, #tpu.memory_space<vmem>>, vector<16xf32>,
      %add3A_347 = arith.addf %add3A_342, %get3A_346 : vector<16xf32>
      %add3A_348 = arith.constant 9728 : i32
      %add3A_349 = arith.addi %add3A_348, %multiple_of3A : i32
      %get3A_350 = arith.index_cast %add3A_349 : i32 to index
      %get3A_351 = tpu.vector_load %arg5[%get3A_350] {strides = array<i32>} : memref<13312xf32, #tpu.memory_space<vmem>>, vector<16xf32>,
      %add3A_352 = arith.addf %add3A_347, %get3A_351 : vector<16xf32>
      %add3A_353 = arith.constant 10240 : i32
      %add3A_354 = arith.addi %add3A_353, %multiple_of3A : i32
      %get3A_355 = arith.index_cast %add3A_354 : i32 to index
      %get3A_356 = tpu.vector_load %arg5[%get3A_355] {strides = array<i32>} : memref<13312xf32, #tpu.memory_space<vmem>>, vector<16xf32>,
      %add3A_357 = arith.addf %add3A_352, %get3A_356 : vector<16xf32>
      %add3A_358 = arith.constant 10752 : i32
      %add3A_359 = arith.addi %add3A_358, %multiple_of3A : i32
      %get3A_360 = arith.index_cast %add3A_359 : i32 to index
      %get3A_361 = tpu.vector_load %arg5[%get3A_360] {strides = array<i32>} : memref<13312xf32, #tpu.memory_space<vmem>>, vector<16xf32>,
      %add3A_362 = arith.addf %add3A_357, %get3A_361 : vector<16xf32>
      %add3A_363 = arith.constant 11264 : i32
      %add3A_364 = arith.addi %add3A_363, %multiple_of3A : i32
      %get3A_365 = arith.index_cast %add3A_364 : i32 to index
      %get3A_366 = tpu.vector_load %arg5[%get3A_365] {strides = array<i32>} : memref<13312xf32, #tpu.memory_space<vmem>>, vector<16xf32>,
      %add3A_367 = arith.addf %add3A_362, %get3A_366 : vector<16xf32>
      %add3A_368 = arith.constant 11776 : i32
      %add3A_369 = arith.addi %add3A_368, %multiple_of3A : i32
      %get3A_370 = arith.index_cast %add3A_369 : i32 to index
      %get3A_371 = tpu.vector_load %arg5[%get3A_370] {strides = array<i32>} : memref<13312xf32, #tpu.memory_space<vmem>>, vector<16xf32>,
      %add3A_372 = arith.addf %add3A_367, %get3A_371 : vector<16xf32>
      %add3A_373 = arith.constant 12288 : i32
      %add3A_374 = arith.addi %add3A_373, %multiple_of3A : i32
      %get3A_375 = arith.index_cast %add3A_374 : i32 to index
      %get3A_376 = tpu.vector_load %arg5[%get3A_375] {strides = array<i32>} : memref<13312xf32, #tpu.memory_space<vmem>>, vector<16xf32>,
      %add3A_377 = arith.addf %add3A_372, %get3A_376 : vector<16xf32>
      %add3A_378 = arith.constant 12800 : i32
      %add3A_379 = arith.addi %add3A_378, %multiple_of3A : i32
      %get3A_380 = arith.index_cast %add3A_379 : i32 to index
      %get3A_381 = tpu.vector_load %arg5[%get3A_380] {strides = array<i32>} : memref<13312xf32, #tpu.memory_space<vmem>>, vector<16xf32>,
      %add3A_382 = arith.addf %add3A_377, %get3A_381 : vector<16xf32>
      %swap3A = arith.index_cast %multiple_of3A : i32 to index
      %swap3A_383 = tpu.vector_load %arg6[%swap3A] {strides = array<i32>} : memref<512xf32, #tpu.memory_space<vmem>>, vector<16xf32>,
      tpu.vector_store %arg6[%swap3A], %add3A_382 {strides = array<i32>} : memref<512xf32, #tpu.memory_space<vmem>>, vector<16xf32>,
    }
    %scan3A_247 = arith.constant 32 : i32
    %mul3A_248 = arith.constant 512 : i32
    %mul3A_249 = arith.muli %add3A, %mul3A_248 : i32
    "tpu.region"() ({
      %run_scoped3A = tpu.sem_alloc : memref<!tpu.dma_semaphore, #tpu.memory_space<semaphore_mem>>
      %dma_start3A_250 = tpu.memref_slice %arg4[%mul3A_249] : memref<16384xf32, #tpu.memory_space<hbm>> -> memref<512xf32, #tpu.memory_space<hbm>>
      %dma_start3A_251 = tpu.memref_slice %arg4[%mul3A_249] : memref<16384xf32, #tpu.memory_space<hbm>> -> memref<512xf32, #tpu.memory_space<hbm>>
      tpu.enqueue_dma source(%arg6 : memref<512xf32, #tpu.memory_space<vmem>>) target(%dma_start3A_251 : memref<512xf32, #tpu.memory_space<hbm>>) target_semaphore(%run_scoped3A : memref<!tpu.dma_semaphore, #tpu.memory_space<semaphore_mem>>)
      %dma_wait3A_252 = tpu.memref_slice %arg4[%mul3A_249] : memref<16384xf32, #tpu.memory_space<hbm>> -> memref<512xf32, #tpu.memory_space<hbm>>
      %dma_wait3A_253 = tpu.memref_slice %arg4[%mul3A_249] : memref<16384xf32, #tpu.memory_space<hbm>> -> memref<512xf32, #tpu.memory_space<hbm>>
      tpu.wait_dma2 semaphore(%run_scoped3A : memref<!tpu.dma_semaphore, #tpu.memory_space<semaphore_mem>>) src(%arg6 : memref<512xf32, #tpu.memory_space<vmem>>) dst(%dma_wait3A_253 : memref<512xf32, #tpu.memory_space<hbm>>)
      tpu.yield
    }) : () -> ()
    return
  }
}

</mosaic_0001>

<sc_bundles>
// kernel: kernel.4.cloned.1.call-start
scs
__scs_entry_jumppad:
0x0: {  	(pc) =	sbr.rel $0x88, $3  }
0x1: {  	(tag) =	ssettag $0x0;
	lr =	simm.s32 $0x1  }
0x2: {  	[smem:$0x3F9E] =	sst lr;
	_ =	strace $0xD0000000  }
0x3: {  	_ = 	snop  }
0x4: {  	_ = 	snop  }
0x5: {  	_ = 	snop  }
0x6: {  	_ = 	snop  }
0x7: {  	_ = 	snop  }
__scs_overlays_trampoline_lowered:
0x8: {  	[smem:$0x3FAD] =	sst s0  }
0x9: {  	[smem:$0x3FAE] =	sst s1  }
0xa: {  	[smem:$0x3FAF] =	sst s2  }
0xb: {  	[smem:$0x3FB0] =	sst s3  }
0xc: {  	[smem:$0x3FB1] =	sst s4  }
0xd: {  	[smem:$0x3FB2] =	sst s5  }
0xe: {  	[smem:$0x3FB3] =	sst s6  }
0xf: {  	[smem:$0x3FB4] =	sst s7  }
0x10: {  	[smem:$0x3FB5] =	sst s8  }
0x11: {  	[smem:$0x3FB6] =	sst s9;
	s0 =	simm.s32 @!p0 $0x0  }
0x12: {  	s1 =	sld [smem:$0x3F9C];
	s0 =	simm.s32 @p0 $0x1  }
0x13: {  	[smem:$0x3FB7] =	sst s0;
	s0 =	simm.s32 @!p1 $0x0  }
0x14: {  	s2 =	sld [smem:$0x3F9B];
	s0 =	simm.s32 @p1 $0x1  }
0x15: {  	[smem:$0x3FB8] =	sst s0;
	s0 =	simm.s32 @!p2 $0x0  }
0x16: {  	s3 =	sld [smem:$0x3FDB];
	s0 =	simm.s32 @p2 $0x1  }
0x17: {  	s4 =	simm.s32 $0x1BF5;
	[smem:$0x3FBA] =	sst s0  }
0x18: {  	s0 =	sld [smem:$0x3F9D];
	_ =	swait.ge [sflag:s4], $0x0  }
0x19: {  	s7 =	sld [smem:$0x3F9E]  }
0x1a: {  	s8 =	sadd.s32 $0xFFFFE003, lr  }
0x1b: {  	s9 =	sadd.s32 $0xFFFFFEF7, lr;
	s5 =	simm.s32 $0xFFFFFFFF;
	p2 =	slt.u32 s8, $0xFFFFF086  }
0x1c: {  	p1 =	slt.u32 s9, $0xF7A;
	s5 =	simm.s32 @!p2 $0x0  }
0x1d: {  	s5 =	simm.s32 @p1 $0x1;
	p0 =	seq.s32 s7, s2  }
0x1e: {  	s7 =	smul.u32 @!p0 $0xF7A, s2;
	p2 =	seq.s32 @!p0 s5, $0x0  }
0x1f: {  	s9 =	smul.u32 $0xF7A, s1;
	s8 =	simm.s32 @!p0 $0x1BF5;
	p2 =	por !p2, p0  }
0x20: {  	[sflag:s8] =	ssyncset.s32 @!p0 $0xFFFFF086;
	s6 =	sadd.s32 @!p0 s3, s7;
	s7 =	simm.s32 @!p0 $0x108  }
0x21: {  	s3 =	sadd.s32 s3, s9;
	s6 =	sadd.s32 @!p0 $0x88, s6;
	s7 =	simm.s32 @p2 $0x1082  }
0x22: {  	[simem:s7], [sflag:s8] =	dma.local @!p0 [hbm:s6], $0xF7A  }
0x23: {  	s9 =	sor.u32 $0xD0000000, s2;
	s6 =	simm.s32 $0x108;
	_ =	swait.ge @!p0 [sflag:s8], $0x0  }
0x24: {  	s3 =	sadd.s32 $0x88, s3;
	s6 =	simm.s32 @!p1 $0x1082;
	[sflag:s4] =	ssyncset.s32 $0xFFFFF086  }
0x25: {  	[simem:s6], [sflag:s4] =	dma.local [hbm:s3], $0xF7A  }
0x26: {  	[smem:$0x3F9E] =	sst s1;
	(tag) =	ssettag s2;
	_ =	strace s9  }
0x27: {  	s1 =	sld [smem:$0x3FAE]  }
0x28: {  	s2 =	sld [smem:$0x3FAF]  }
0x29: {  	s4 =	sld [smem:$0x3FB1]  }
0x2a: {  	p0 =	seq.s32 s5, $0x0;
	s5 =	sld [smem:$0x3FB2]  }
0x2b: {  	s6 =	sld [smem:$0x3FB3]  }
0x2c: {  	s7 =	sld [smem:$0x3FB4]  }
0x2d: {  	s3 =	simm.s32 $0x108;
	s8 =	sld [smem:$0x3FB5]  }
0x2e: {  	s3 =	simm.s32 @!p0 $0x1082;
	s9 =	sld [smem:$0x3FB6]  }
0x2f: {  	lr =	sadd.s32 s0, s3;
	s0 =	sld [smem:$0x3FAD]  }
0x30: {  	s3 =	sld [smem:$0x3FB0]  }
0x31: {  	[smem:$0x3FB9] =	sst s10  }
0x32: {  	s10 =	sld [smem:$0x3FB7];
	_ =	sdelay $0x3  }
0x33: {  	p0 =	seq.s32 s10, $0x1;
	s10 =	sld [smem:$0x3FB9];
	_ =	sdelay $0x3  }
0x34: {  	[smem:$0x3FB9] =	sst s10  }
0x35: {  	s10 =	sld [smem:$0x3FB8];
	_ =	sdelay $0x3  }
0x36: {  	p1 =	seq.s32 s10, $0x1;
	s10 =	sld [smem:$0x3FB9];
	_ =	sdelay $0x3  }
0x37: {  	[smem:$0x3FB9] =	sst s10  }
0x38: {  	s10 =	sld [smem:$0x3FBA]  }
0x39: {  	_ = 	snop;
	(pc) =	sbr.ind lr, $3  }
0x3a: {  	_ = 	snop  }
0x3b: {  	_ = 	snop  }
0x3c: {  	p2 =	seq.s32 s10, $0x1;
	s10 =	sld [smem:$0x3FB9]  }
0x3d: {  	_ =	shalt  }
0x3e: {  	_ =	shalt  }
0x3f: {  	_ =	shalt  }
0x40: {  	_ =	shalt  }
0x41: {  	_ =	shalt  }
0x42: {  	_ =	shalt  }
0x43: {  	_ =	shalt  }
0x44: {  	_ =	shalt  }
0x45: {  	_ =	shalt  }
0x46: {  	_ =	shalt  }
0x47: {  	_ =	shalt  }
0x48: {  	_ =	shalt  }
0x49: {  	_ =	shalt  }
0x4a: {  	_ =	shalt  }
0x4b: {  	_ =	shalt  }
0x4c: {  	_ =	shalt  }
0x4d: {  	_ =	shalt  }
0x4e: {  	_ =	shalt  }
0x4f: {  	_ =	shalt  }
0x50: {  	_ =	shalt  }
0x51: {  	_ =	shalt  }
0x52: {  	_ =	shalt  }
0x53: {  	_ =	shalt  }
0x54: {  	_ =	shalt  }
0x55: {  	_ =	shalt  }
0x56: {  	_ =	shalt  }
0x57: {  	_ =	shalt  }
0x58: {  	_ =	shalt  }
0x59: {  	_ =	shalt  }
0x5a: {  	_ =	shalt  }
0x5b: {  	_ =	shalt  }
0x5c: {  	_ =	shalt  }
0x5d: {  	_ =	shalt  }
0x5e: {  	_ =	shalt  }
0x5f: {  	_ =	shalt  }
0x60: {  	_ =	shalt  }
0x61: {  	_ =	shalt  }
0x62: {  	_ =	shalt  }
0x63: {  	_ =	shalt  }
0x64: {  	_ =	shalt  }
0x65: {  	_ =	shalt  }
0x66: {  	_ =	shalt  }
0x67: {  	_ =	shalt  }
0x68: {  	_ =	shalt  }
0x69: {  	_ =	shalt  }
0x6a: {  	_ =	shalt  }
0x6b: {  	_ =	shalt  }
0x6c: {  	_ =	shalt  }
0x6d: {  	_ =	shalt  }
0x6e: {  	_ =	shalt  }
0x6f: {  	_ =	shalt  }
0x70: {  	_ =	shalt  }
0x71: {  	_ =	shalt  }
0x72: {  	_ =	shalt  }
0x73: {  	_ =	shalt  }
0x74: {  	_ =	shalt  }
0x75: {  	_ =	shalt  }
0x76: {  	_ =	shalt  }
0x77: {  	_ =	shalt  }
0x78: {  	_ =	shalt  }
0x79: {  	_ =	shalt  }
0x7a: {  	_ =	shalt  }
0x7b: {  	_ =	shalt  }
0x7c: {  	_ =	shalt  }
0x7d: {  	_ =	shalt  }
0x7e: {  	_ =	shalt  }
0x7f: {  	_ =	shalt  }
0x80: {  	_ =	shalt  }
0x81: {  	_ =	shalt  }
0x82: {  	_ =	shalt  }
0x83: {  	_ =	shalt  }
0x84: {  	_ =	shalt  }
0x85: {  	_ =	shalt  }
0x86: {  	_ =	shalt  }
0x87: {  	_ =	shalt  }
.Lfunc_end0:
.L_simem_size_0:
called_computation_lowered:
.L_overlay_start_0:
0x88: {  	s2 =	sld [smem:$0x3FD9]  }
0x89: {  	s3 =	sld [smem:$0x3FFE];
	_ =	sdelay $0x1  }
0x8a: {  	s1 =	srdreg.scid  }
0x8b: {  	s0 =	sand.u32 $0x1, s1  }
0x8c: {  	s17 =	sshll.u32 s0, $0xA;
	s2 =	sadd.s32 s3, s2  }
0x8d: {  	s2 =	sadd.s32 s2, s17  }
0x8e: {  	[smem:$0x3FC5] =	sst s2  }
0x8f: {  	_ = 	snop  }
0x90: {  	s2 =	sld [smem:$0x3FC9];
	(tm) =	ssettm $0x1  }
0x91: {  	s18 =	sld [smem:$0x3FFB];
	_ =	sdelay $0x3  }
0x92: {  	_ =	strace s18  }
0x93: {  	s3 =	sld [smem:$0x3FFC];
	_ =	sdelay $0x3  }
0x94: {  	_ =	strace s3  }
0x95: {  	s3 =	sld [smem:$0x3FFD];
	_ =	sdelay $0x3  }
0x96: {  	_ =	strace s3  }
0x97: {  	_ =	strace $0x8FFFFFFF  }
0x98: {  	s19 =	sld [smem:$0x3FDB];
	_ =	sdelay $0x1  }
0x99: {  	s4 =	simm.s32 $_scs_section_size  }
0x9a: {  	s5 =	simm.s32 $_size__tile_overlayer_lowered;
	s6 =	simm.s32 $_tile_overlayer_lowered  }
0x9b: {  	s22 =	simm.s32 $0x1BFF;
	s21 =	sshll.u32 s6, $0x1;
	s3 =	sadd.s32 s4, s19  }
0x9c: {  	s7 =	simm.s32 $0x0;
	s20 =	sshll.u32 s5, $0x1;
	s5 =	sadd.s32 s21, s3  }
0x9d: {  	[timem:s7], [sflag:s22] =	dma.local [hbm:s5], s20  }
0x9e: {  	_ =	swait.ge [sflag:s22], s20  }
0x9f: {  	s4 =	ssub.s32 $0x0, s20;
	[sflag:s22] =	ssyncset.done $0x0  }
0xa0: {  	[sflag:s22] =	ssyncadd.s32 s4;
	_ =	sdelay $0x1  }
0xa1: {  	s23 =	simm.s32 $0x1B8B  }
0xa2: {  	_ =	swait.ge [sflag:s23], $0x1  }
0xa3: {  	[sflag:s23] =	ssyncset.done $0x0  }
0xa4: {  	s25 =	simm.s32 $0x1B8E;
	s24 =	sld [smem:$0x3FFE];
	[sflag:s23] =	ssyncadd.s32 $0xFFFFFFFF  }
0xa5: {  	s26 =	simm.s32 $execute0_lowered;
	[smem:$0x3FD2] =	sst s25  }
0xa6: {  	s5 =	sshll.u32 s26, $0x1;
	_ =	strace $0x80000046;
	[dreg:$0x1] =	wrdreg $0xFFFFFFFF  }
0xa7: {  	s28 =	simm.s32 $_size_execute0_lowered;
	s3 =	sadd.s32 s3, s5;
	[dreg:$0x0] =	wrdreg $0x0  }
0xa8: {  	s5 =	sshll.u32 s28, $0x1;
	[dreg:$0x2] =	wrdreg s3  }
0xa9: {  	[dreg:$0x3] =	wrdreg s5  }
0xaa: {  	[dreg:$0x4] =	wrdreg $0xC0  }
0xab: {  	_ =	task [dreg:s7], $0x5FFFF  }
0xac: {  	[dreg:$0x1] =	wrdreg $0xFFFFFFFF  }
0xad: {  	[dreg:$0x0] =	wrdreg $0x60  }
0xae: {  	[dreg:$0x2] =	wrdreg s2  }
0xaf: {  	[dreg:$0x3] =	wrdreg s24  }
0xb0: {  	[dreg:$0x4] =	wrdreg $0x9  }
0xb1: {  	_ =	task.clear_ibuf [dreg:s7], $0x5FFFF;
	_ =	strace $0x90000046  }
0xb2: {  	s29 =	simm.s32 $0x9;
	_ =	strace $0x80000048  }
0xb3: {  	_ =	swait.ge [sflag:s29], $0x1  }
0xb4: {  	[sflag:s29] =	ssyncadd.s32 $0xFFFFFFFF  }
0xb5: {  	_ =	strace $0x90000048  }
0xb6: {  	_ =	sfence  }
0xb7: {  	s30 =	sld [smem:$0x0];
	_ =	sdelay $0x2  }
0xb8: {  	s31 =	sshll.u32 s1, $0xD;
	s1 =	sshrl.u32 s1, $0x2  }
0xb9: {  	s3 =	sand.u32 $0x4000, s31;
	s1 =	sadd.s32 s1, s30  }
0xba: {  	s0 =	sor.u32 s3, s0;
	s1 =	sshll.u32 s1, $0x11  }
0xbb: {  	s0 =	sor.u32 s1, s0  }
0xbc: {  	s0 =	sadd.s32 $0x8F2B, s0  }
0xbd: {  	[sflag:s0] =	ssyncadd.remote.s32 $0x1  }
0xbe: {  	_ =	sfence.sel $0xFFFF  }
0xbf: {  	[dreg:$0x0] =	wrdreg $0xFFFFFFFF;
	(pc) =	sbr.abs _section_cstart, $3  }
0xc0: {  	[dreg:$0x1] =	wrdreg $0xFFFFFFFF  }
0xc1: {  	_ =	task.clear_ibuf [dreg:s7], $0x2FFFF;
	_ =	strace $0x9FFFFFFF  }
0xc2: {  	(tm) =	ssettm $0x7FFFFFFF  }
0xc3: {  	_ =	shalt  }
tec
execute0_lowered:
.L_overlay_start_1:
0x0: {  	(tag) =	ssettag $0x1  }
0x1: {  	s1 =	stileid.u32  }
0x2: {  	p0 =	sgt.u32 s1, $0xC  }
.Ltmp0:
0x3: {  	_ = 	snop;
	(pc) =	sbr.rel @p0 .LBB2_5-.Ltmp0, $4  }
0x4: {  	s4 =	rddreg [dreg:$0x0]  }
0x5: {  	s3 =	rddreg [dreg:$0x1];
	s2 =	simm.s32 $0x0  }
0x6: {  	[smem:$0x7FF] =	sst s2  }
0x7: {  	s0 =	rddreg [dreg:$0x2];
	_ =	strace $0x80000047  }
0x8: {  	s5 =	srdreg.scid;
	s6 =	sshll.u32 s1, $0x1  }
0x9: {  	s7 =	sshll.u32 s1, $0xC;
	s29 =	sadd.s32 $0x800, s3;
	s5 =	sand.u32 $0x1, s5  }
0xa: {  	s11 =	simm.s32 $0xD680;
	s6 =	sor.u32 s5, s6;
	s5 =	ssub.s32 $0x2, s5  }
0xb: {  	s8 =	sshll.u32 s6, $0x4;
	s6 =	smul.u32 $0x963D, s6;
	s9 =	sshrl.u32 s5, $0x1  }
0xc: {  	s12 =	simm.s32 $0x2;
	s7 =	sor.u32 s7, s8;
	s9 =	ssub.s32 s5, s9  }
0xd: {  	s8 =	simm.s32 $0x80;
	s7 =	sand.u32 $0xC070, s7;
	s10 =	sand.u32 $0x7, s6  }
0xe: {  	s31 =	sshrl.u32 s6, $0x3;
	s6 =	smax.u32 s9, $0x1;
	s9 =	simm.s32 $0x400  }
0xf: {  	s30 =	sadd.s32 s7, s3;
	s4 =	sadd.s32 s4, s7;
	s5 =	sadd.s32 s29, s31  }
0x10: {  	s7 =	simm.s32 $0x4000;
	v0 =	vmov s10;
	s10 =	simm.s32 $0x1;
	s3 =	sadd.s32 $0x1F200, s30  }
.LBB2_2:
0x11: {  	s13 =	simm.s32 $0x0  }
0x12: {  	[tilespmem:s7], [sflag:$0x1] =	stream.linear.gather [hbm4b:s5+s13], $0x9648, $0x38;
	[tilespmem:$0x11680] =	vst v63  }
0x13: {  	_ = 	snop  }
0x14: {  	[tilespmem:s13], [sflag:$0x1] =	stream.strided.gather [hbm4b:s4+s8], $0x4000, s9, s8, $0x38;
	[tilespmem:$0x11680] =	vst v63  }
0x15: {  	_ =	swait.ge [sflag:s10], $0x9648  }
0x16: {  	[sflag:s10] =	ssyncset.done $0x0  }
0x17: {  	[sflag:s10] =	ssyncadd.s32 $0xFFFF69B8  }
0x18: {  	_ =	swait.ge [sflag:s10], $0x4000  }
0x19: {  	[sflag:s10] =	ssyncset.done $0x0  }
0x1a: {  	s13 =	simm.s32 $0x0;
	[sflag:s10] =	ssyncadd.s32 $0xFFFFC000  }
0x1b: {  	v1 =	vld [tilespmem:s13+$0x0];
	_ =	sdelay $0x4  }
0x1c: {  	v1 =	vadd.s32 v0, v1  }
0x1d: {  	v2 =	vld [tilespmem:s13+$0x10];
	_ =	sdelay $0x3  }
0x1e: {  	v1 =	vld.idx.msk [tilespmem:v1+s7+$0x0], $0xffff  }
0x1f: {  	v2 =	vadd.s32 v0, v2  }
0x20: {  	v3 =	vld [tilespmem:s13+$0x20];
	_ =	sdelay $0x2  }
0x21: {  	[tilespmem:s13+$0xD680] =	vst v1  }
0x22: {  	v1 =	vld.idx.msk [tilespmem:v2+s7+$0x0], $0xffff  }
0x23: {  	v2 =	vadd.s32 v0, v3  }
0x24: {  	v3 =	vld [tilespmem:s13+$0x30];
	_ =	sdelay $0x2  }
0x25: {  	[tilespmem:s13+$0xD690] =	vst v1  }
0x26: {  	v1 =	vld.idx.msk [tilespmem:v2+s7+$0x0], $0xffff  }
0x27: {  	v2 =	vadd.s32 v0, v3  }
0x28: {  	s15 =	simm.s32 $0x40;
	s14 =	simm.s32 $0x200  }
.LBB2_3:
0x29: {  	p0 =	sne.s32 s14, $0xFF00;
	v3 =	vld [tilespmem:s15+$0x0];
	_ =	sdelay $0x1  }
0x2a: {  	[tilespmem:s13+$0xD6A0] =	vst v1  }
0x2b: {  	v1 =	vld.idx.msk [tilespmem:v2+s7+$0x0], $0xffff;
	_ =	sdelay $0x1  }
0x2c: {  	v2 =	vadd.s32 v0, v3;
	_ =	sdelay $0x1  }
0x2d: {  	v3 =	vld [tilespmem:s15+$0x10];
	_ =	sdelay $0x1  }
0x2e: {  	[tilespmem:s13+$0xD6B0] =	vst v1;
	s13 =	smov.u32 s15  }
0x2f: {  	v1 =	vld.idx.msk [tilespmem:v2+s7+$0x0], $0xffff;
	_ =	sdelay $0x1  }
0x30: {  	v2 =	vadd.s32 v0, v3;
	_ =	sdelay $0x1  }
0x31: {  	v3 =	vld [tilespmem:s13+$0x20];
	_ =	sdelay $0x1  }
0x32: {  	[tilespmem:s13+$0xD680] =	vst v1  }
0x33: {  	v1 =	vld.idx.msk [tilespmem:v2+s7+$0x0], $0xffff;
	_ =	sdelay $0x1  }
0x34: {  	v2 =	vadd.s32 v0, v3;
	_ =	sdelay $0x1  }
0x35: {  	v3 =	vld [tilespmem:s13+$0x30];
	_ =	sdelay $0x1  }
.Ltmp1:
0x36: {  	[tilespmem:s13+$0xD690] =	vst v1;
	(pc) =	sbr.rel @p0 .LBB2_3-.Ltmp1, $3  }
0x37: {  	v1 =	vld.idx.msk [tilespmem:v2+s7+$0x0], $0xffff;
	_ =	sdelay $0x1  }
0x38: {  	v2 =	vadd.s32 v0, v3  }
0x39: {  	s15 =	sshra.s32 s14, $0x2;
	s14 =	sadd.s32 $0x100, s14  }
0x3a: {  	v3 =	vld [tilespmem:s15+$0x0];
	_ =	sdelay $0x2  }
0x3b: {  	[tilespmem:s13+$0xD6A0] =	vst v1  }
0x3c: {  	v1 =	vld.idx.msk [tilespmem:v2+s7+$0x0], $0xffff  }
0x3d: {  	v2 =	vadd.s32 v0, v3  }
0x3e: {  	v3 =	vld [tilespmem:s15+$0x10];
	_ =	sdelay $0x2  }
0x3f: {  	[tilespmem:s13+$0xD6B0] =	vst v1  }
0x40: {  	v1 =	vld.idx.msk [tilespmem:v2+s7+$0x0], $0xffff  }
0x41: {  	v2 =	vadd.s32 v0, v3  }
0x42: {  	v3 =	vld [tilespmem:s15+$0x20];
	_ =	sdelay $0x2  }
0x43: {  	[tilespmem:s15+$0xD680] =	vst v1  }
0x44: {  	v1 =	vld.idx.msk [tilespmem:v2+s7+$0x0], $0xffff  }
0x45: {  	v2 =	vadd.s32 v0, v3  }
0x46: {  	v3 =	vld [tilespmem:s15+$0x30];
	_ =	sdelay $0x2  }
0x47: {  	[tilespmem:s15+$0xD690] =	vst v1  }
0x48: {  	v1 =	vld.idx.msk [tilespmem:v2+s7+$0x0], $0xffff  }
0x49: {  	v2 =	vadd.s32 v0, v3;
	_ =	sdelay $0x3  }
0x4a: {  	[tilespmem:s15+$0xD6A0] =	vst v1  }
0x4b: {  	v1 =	vld.idx.msk [tilespmem:v2+s7+$0x0], $0xffff;
	_ =	sdelay $0x2  }
0x4c: {  	s2 =	sadd.s32 $0x1, s2  }
0x4d: {  	p0 =	sne.s32 s2, s6  }
.Ltmp2:
0x4e: {  	[tilespmem:s15+$0xD6B0] =	vst v1;
	(pc) =	sbr.rel @p0 .LBB2_2-.Ltmp2, $4  }
0x4f: {  	[hbm4b:s3+s8] =	stream.strided.scatter [tilespmem:s11], [sflag:$0x2], $0x4000, s9, s8, $0x38;
	[tilespmem:$0x11680] =	vst v63  }
0x50: {  	_ =	swait.ge [sflag:s12], $0x4000  }
0x51: {  	[sflag:s12] =	ssyncset.done $0x0  }
0x52: {  	[sflag:s12] =	ssyncadd.s32 $0xFFFFC000  }
.LBB2_5:
0x53: {  	_ =	sfence.sel $0x180000  }
0x54: {  	[bflag:$0x0] =	sbarrier.arrive $0xFFFF  }
0x55: {  	p0 =	sne.s32 s1, $0x0;
	_ =	strace $0x90000047  }
0x56: {  	s0 =	sadd.s32 @!p0 $0x100000, s0;
	[bflag:$0x2] =	sbarrier.arrive $0xFFFF  }
0x57: {  	[sflag:s0] =	ssyncadd.tile.s32 @!p0 $0x1;
	_ =	shalt  }
.Lfunc_end2:
_tile_overlayer_lowered:
.L_overlay_start_2:
0x58: {  	(tag) =	ssettag $0x2  }
0x59: {  	s0 =	rddreg [dreg:$0x0];
	s2 =	stileid.u32  }
0x5a: {  	s1 =	rddreg [dreg:$0x1];
	p0 =	sne.s32 s2, $0x0  }
0x5b: {  	s3 =	rddreg [dreg:$0x2];
	[bflag:$0x3] =	sbarrier.arrive $0xFFFF;
	s2 =	simm.s32 @!p0 $0x1C02  }
0x5c: {  	[timem:s3], [sflag:s2] =	dma.local @!p0 [hbm:s0], s1  }
0x5d: {  	s0 =	simm.s32 @!p0 $0x2  }
0x5e: {  	_ =	swait.ge @!p0 [sflag:s0], s1  }
0x5f: {  	s1 =	ssub.s32 @!p0 $0x0, s1;
	[sflag:s0] =	ssyncset.done @!p0 $0x0  }
0x60: {  	[sflag:s0] =	ssyncadd.s32 @!p0 s1  }
0x61: {  	[bflag:$0x3] =	sbarrier.arrive $0xFFFF  }
0x62: {  	_ =	shalt  }

// kernel: kernel.7.cloned.1.call-start
scs
__scs_entry_jumppad:
0x0: {  	(pc) =	sbr.rel $0x88, $3  }
0x1: {  	(tag) =	ssettag $0x0;
	lr =	simm.s32 $0x1  }
0x2: {  	[smem:$0x3F9E] =	sst lr;
	_ =	strace $0xD0000000  }
0x3: {  	_ = 	snop  }
0x4: {  	_ = 	snop  }
0x5: {  	_ = 	snop  }
0x6: {  	_ = 	snop  }
0x7: {  	_ = 	snop  }
__scs_overlays_trampoline_lowered:
0x8: {  	[smem:$0x3FAD] =	sst s0  }
0x9: {  	[smem:$0x3FAE] =	sst s1  }
0xa: {  	[smem:$0x3FAF] =	sst s2  }
0xb: {  	[smem:$0x3FB0] =	sst s3  }
0xc: {  	[smem:$0x3FB1] =	sst s4  }
0xd: {  	[smem:$0x3FB2] =	sst s5  }
0xe: {  	[smem:$0x3FB3] =	sst s6  }
0xf: {  	[smem:$0x3FB4] =	sst s7  }
0x10: {  	[smem:$0x3FB5] =	sst s8  }
0x11: {  	[smem:$0x3FB6] =	sst s9;
	s0 =	simm.s32 @!p0 $0x0  }
0x12: {  	s1 =	sld [smem:$0x3F9C];
	s0 =	simm.s32 @p0 $0x1  }
0x13: {  	[smem:$0x3FB7] =	sst s0;
	s0 =	simm.s32 @!p1 $0x0  }
0x14: {  	s2 =	sld [smem:$0x3F9B];
	s0 =	simm.s32 @p1 $0x1  }
0x15: {  	[smem:$0x3FB8] =	sst s0;
	s0 =	simm.s32 @!p2 $0x0  }
0x16: {  	s3 =	sld [smem:$0x3FDB];
	s0 =	simm.s32 @p2 $0x1  }
0x17: {  	s4 =	simm.s32 $0x1BF5;
	[smem:$0x3FBA] =	sst s0  }
0x18: {  	s0 =	sld [smem:$0x3F9D];
	_ =	swait.ge [sflag:s4], $0x0  }
0x19: {  	s7 =	sld [smem:$0x3F9E]  }
0x1a: {  	s8 =	sadd.s32 $0xFFFFE003, lr  }
0x1b: {  	s9 =	sadd.s32 $0xFFFFFEF7, lr;
	s5 =	simm.s32 $0xFFFFFFFF;
	p2 =	slt.u32 s8, $0xFFFFF086  }
0x1c: {  	p1 =	slt.u32 s9, $0xF7A;
	s5 =	simm.s32 @!p2 $0x0  }
0x1d: {  	s5 =	simm.s32 @p1 $0x1;
	p0 =	seq.s32 s7, s2  }
0x1e: {  	s7 =	smul.u32 @!p0 $0xF7A, s2;
	p2 =	seq.s32 @!p0 s5, $0x0  }
0x1f: {  	s9 =	smul.u32 $0xF7A, s1;
	s8 =	simm.s32 @!p0 $0x1BF5;
	p2 =	por !p2, p0  }
0x20: {  	[sflag:s8] =	ssyncset.s32 @!p0 $0xFFFFF086;
	s6 =	sadd.s32 @!p0 s3, s7;
	s7 =	simm.s32 @!p0 $0x108  }
0x21: {  	s3 =	sadd.s32 s3, s9;
	s6 =	sadd.s32 @!p0 $0x88, s6;
	s7 =	simm.s32 @p2 $0x1082  }
0x22: {  	[simem:s7], [sflag:s8] =	dma.local @!p0 [hbm:s6], $0xF7A  }
0x23: {  	s9 =	sor.u32 $0xD0000000, s2;
	s6 =	simm.s32 $0x108;
	_ =	swait.ge @!p0 [sflag:s8], $0x0  }
0x24: {  	s3 =	sadd.s32 $0x88, s3;
	s6 =	simm.s32 @!p1 $0x1082;
	[sflag:s4] =	ssyncset.s32 $0xFFFFF086  }
0x25: {  	[simem:s6], [sflag:s4] =	dma.local [hbm:s3], $0xF7A  }
0x26: {  	[smem:$0x3F9E] =	sst s1;
	(tag) =	ssettag s2;
	_ =	strace s9  }
0x27: {  	s1 =	sld [smem:$0x3FAE]  }
0x28: {  	s2 =	sld [smem:$0x3FAF]  }
0x29: {  	s4 =	sld [smem:$0x3FB1]  }
0x2a: {  	p0 =	seq.s32 s5, $0x0;
	s5 =	sld [smem:$0x3FB2]  }
0x2b: {  	s6 =	sld [smem:$0x3FB3]  }
0x2c: {  	s7 =	sld [smem:$0x3FB4]  }
0x2d: {  	s3 =	simm.s32 $0x108;
	s8 =	sld [smem:$0x3FB5]  }
0x2e: {  	s3 =	simm.s32 @!p0 $0x1082;
	s9 =	sld [smem:$0x3FB6]  }
0x2f: {  	lr =	sadd.s32 s0, s3;
	s0 =	sld [smem:$0x3FAD]  }
0x30: {  	s3 =	sld [smem:$0x3FB0]  }
0x31: {  	[smem:$0x3FB9] =	sst s10  }
0x32: {  	s10 =	sld [smem:$0x3FB7];
	_ =	sdelay $0x3  }
0x33: {  	p0 =	seq.s32 s10, $0x1;
	s10 =	sld [smem:$0x3FB9];
	_ =	sdelay $0x3  }
0x34: {  	[smem:$0x3FB9] =	sst s10  }
0x35: {  	s10 =	sld [smem:$0x3FB8];
	_ =	sdelay $0x3  }
0x36: {  	p1 =	seq.s32 s10, $0x1;
	s10 =	sld [smem:$0x3FB9];
	_ =	sdelay $0x3  }
0x37: {  	[smem:$0x3FB9] =	sst s10  }
0x38: {  	s10 =	sld [smem:$0x3FBA]  }
0x39: {  	_ = 	snop;
	(pc) =	sbr.ind lr, $3  }
0x3a: {  	_ = 	snop  }
0x3b: {  	_ = 	snop  }
0x3c: {  	p2 =	seq.s32 s10, $0x1;
	s10 =	sld [smem:$0x3FB9]  }
0x3d: {  	_ =	shalt  }
0x3e: {  	_ =	shalt  }
0x3f: {  	_ =	shalt  }
0x40: {  	_ =	shalt  }
0x41: {  	_ =	shalt  }
0x42: {  	_ =	shalt  }
0x43: {  	_ =	shalt  }
0x44: {  	_ =	shalt  }
0x45: {  	_ =	shalt  }
0x46: {  	_ =	shalt  }
0x47: {  	_ =	shalt  }
0x48: {  	_ =	shalt  }
0x49: {  	_ =	shalt  }
0x4a: {  	_ =	shalt  }
0x4b: {  	_ =	shalt  }
0x4c: {  	_ =	shalt  }
0x4d: {  	_ =	shalt  }
0x4e: {  	_ =	shalt  }
0x4f: {  	_ =	shalt  }
0x50: {  	_ =	shalt  }
0x51: {  	_ =	shalt  }
0x52: {  	_ =	shalt  }
0x53: {  	_ =	shalt  }
0x54: {  	_ =	shalt  }
0x55: {  	_ =	shalt  }
0x56: {  	_ =	shalt  }
0x57: {  	_ =	shalt  }
0x58: {  	_ =	shalt  }
0x59: {  	_ =	shalt  }
0x5a: {  	_ =	shalt  }
0x5b: {  	_ =	shalt  }
0x5c: {  	_ =	shalt  }
0x5d: {  	_ =	shalt  }
0x5e: {  	_ =	shalt  }
0x5f: {  	_ =	shalt  }
0x60: {  	_ =	shalt  }
0x61: {  	_ =	shalt  }
0x62: {  	_ =	shalt  }
0x63: {  	_ =	shalt  }
0x64: {  	_ =	shalt  }
0x65: {  	_ =	shalt  }
0x66: {  	_ =	shalt  }
0x67: {  	_ =	shalt  }
0x68: {  	_ =	shalt  }
0x69: {  	_ =	shalt  }
0x6a: {  	_ =	shalt  }
0x6b: {  	_ =	shalt  }
0x6c: {  	_ =	shalt  }
0x6d: {  	_ =	shalt  }
0x6e: {  	_ =	shalt  }
0x6f: {  	_ =	shalt  }
0x70: {  	_ =	shalt  }
0x71: {  	_ =	shalt  }
0x72: {  	_ =	shalt  }
0x73: {  	_ =	shalt  }
0x74: {  	_ =	shalt  }
0x75: {  	_ =	shalt  }
0x76: {  	_ =	shalt  }
0x77: {  	_ =	shalt  }
0x78: {  	_ =	shalt  }
0x79: {  	_ =	shalt  }
0x7a: {  	_ =	shalt  }
0x7b: {  	_ =	shalt  }
0x7c: {  	_ =	shalt  }
0x7d: {  	_ =	shalt  }
0x7e: {  	_ =	shalt  }
0x7f: {  	_ =	shalt  }
0x80: {  	_ =	shalt  }
0x81: {  	_ =	shalt  }
0x82: {  	_ =	shalt  }
0x83: {  	_ =	shalt  }
0x84: {  	_ =	shalt  }
0x85: {  	_ =	shalt  }
0x86: {  	_ =	shalt  }
0x87: {  	_ =	shalt  }
.Lfunc_end0:
.L_simem_size_0:
called_computation.1_lowered:
.L_overlay_start_0:
0x88: {  	s2 =	sld [smem:$0x3FD9]  }
0x89: {  	s3 =	sld [smem:$0x3FFE];
	_ =	sdelay $0x1  }
0x8a: {  	s1 =	srdreg.scid  }
0x8b: {  	s0 =	sand.u32 $0x1, s1  }
0x8c: {  	s17 =	sshll.u32 s0, $0xA;
	s2 =	sadd.s32 s3, s2  }
0x8d: {  	s2 =	sadd.s32 s2, s17  }
0x8e: {  	[smem:$0x3FC5] =	sst s2  }
0x8f: {  	_ = 	snop  }
0x90: {  	s2 =	sld [smem:$0x3FD0];
	(tm) =	ssettm $0x1  }
0x91: {  	s18 =	sld [smem:$0x3FFB];
	_ =	sdelay $0x3  }
0x92: {  	_ =	strace s18  }
0x93: {  	s3 =	sld [smem:$0x3FFC];
	_ =	sdelay $0x3  }
0x94: {  	_ =	strace s3  }
0x95: {  	s3 =	sld [smem:$0x3FFD];
	_ =	sdelay $0x3  }
0x96: {  	_ =	strace s3  }
0x97: {  	_ =	strace $0x8FFFFFFF  }
0x98: {  	s19 =	sld [smem:$0x3FDB];
	_ =	sdelay $0x1  }
0x99: {  	s4 =	simm.s32 $_scs_section_size  }
0x9a: {  	s5 =	simm.s32 $_size__tile_overlayer_lowered;
	s6 =	simm.s32 $_tile_overlayer_lowered  }
0x9b: {  	s22 =	simm.s32 $0x1BFF;
	s21 =	sshll.u32 s6, $0x1;
	s3 =	sadd.s32 s4, s19  }
0x9c: {  	s7 =	simm.s32 $0x0;
	s20 =	sshll.u32 s5, $0x1;
	s5 =	sadd.s32 s21, s3  }
0x9d: {  	[timem:s7], [sflag:s22] =	dma.local [hbm:s5], s20  }
0x9e: {  	_ =	swait.ge [sflag:s22], s20  }
0x9f: {  	s4 =	ssub.s32 $0x0, s20;
	[sflag:s22] =	ssyncset.done $0x0  }
0xa0: {  	[sflag:s22] =	ssyncadd.s32 s4;
	_ =	sdelay $0x1  }
0xa1: {  	s23 =	simm.s32 $0x1B8B  }
0xa2: {  	_ =	swait.ge [sflag:s23], $0x1  }
0xa3: {  	[sflag:s23] =	ssyncset.done $0x0  }
0xa4: {  	s25 =	simm.s32 $0x1B8E;
	s24 =	sld [smem:$0x3FFE];
	[sflag:s23] =	ssyncadd.s32 $0xFFFFFFFF  }
0xa5: {  	s26 =	simm.s32 $execute0_lowered;
	[smem:$0x3FD2] =	sst s25  }
0xa6: {  	s5 =	sshll.u32 s26, $0x1;
	_ =	strace $0x80000049;
	[dreg:$0x1] =	wrdreg $0xFFFFFFFF  }
0xa7: {  	s28 =	simm.s32 $_size_execute0_lowered;
	s3 =	sadd.s32 s3, s5;
	[dreg:$0x0] =	wrdreg $0x0  }
0xa8: {  	s5 =	sshll.u32 s28, $0x1;
	[dreg:$0x2] =	wrdreg s3  }
0xa9: {  	[dreg:$0x3] =	wrdreg s5  }
0xaa: {  	[dreg:$0x4] =	wrdreg $0xC0  }
0xab: {  	_ =	task [dreg:s7], $0x5FFFF  }
0xac: {  	[dreg:$0x1] =	wrdreg $0xFFFFFFFF  }
0xad: {  	[dreg:$0x0] =	wrdreg $0x60  }
0xae: {  	[dreg:$0x2] =	wrdreg s24  }
0xaf: {  	[dreg:$0x3] =	wrdreg s2  }
0xb0: {  	[dreg:$0x4] =	wrdreg $0x9  }
0xb1: {  	_ =	task.clear_ibuf [dreg:s7], $0x5FFFF;
	_ =	strace $0x90000049  }
0xb2: {  	s29 =	simm.s32 $0x9;
	_ =	strace $0x8000004B  }
0xb3: {  	_ =	swait.ge [sflag:s29], $0x1  }
0xb4: {  	[sflag:s29] =	ssyncadd.s32 $0xFFFFFFFF  }
0xb5: {  	_ =	strace $0x9000004B  }
0xb6: {  	_ =	sfence  }
0xb7: {  	s30 =	sld [smem:$0x0];
	_ =	sdelay $0x2  }
0xb8: {  	s31 =	sshll.u32 s1, $0xD;
	s1 =	sshrl.u32 s1, $0x2  }
0xb9: {  	s3 =	sand.u32 $0x4000, s31;
	s1 =	sadd.s32 s1, s30  }
0xba: {  	s0 =	sor.u32 s3, s0;
	s1 =	sshll.u32 s1, $0x11  }
0xbb: {  	s0 =	sor.u32 s1, s0  }
0xbc: {  	s0 =	sadd.s32 $0x8F2B, s0  }
0xbd: {  	[sflag:s0] =	ssyncadd.remote.s32 $0x1  }
0xbe: {  	_ =	sfence.sel $0xFFFF  }
0xbf: {  	[dreg:$0x0] =	wrdreg $0xFFFFFFFF;
	(pc) =	sbr.abs _section_cstart, $3  }
0xc0: {  	[dreg:$0x1] =	wrdreg $0xFFFFFFFF  }
0xc1: {  	_ =	task.clear_ibuf [dreg:s7], $0x2FFFF;
	_ =	strace $0x9FFFFFFF  }
0xc2: {  	(tm) =	ssettm $0x7FFFFFFF  }
0xc3: {  	_ =	shalt  }
tec
execute0_lowered:
.L_overlay_start_1:
0x0: {  	(tag) =	ssettag $0x1  }
0x1: {  	s0 =	rddreg [dreg:$0x0]  }
0x2: {  	s1 =	rddreg [dreg:$0x1];
	s2 =	simm.s32 $0x0;
	s3 =	srdreg.scid  }
0x3: {  	s4 =	stileid.u32;
	s7 =	simm.s32 $0x0;
	s3 =	sand.u32 $0x1, s3  }
0x4: {  	[smem:$0x7FF] =	sst s2;
	s4 =	sshll.u32 s4, $0xA;
	s5 =	sshll.u32 s3, $0x9  }
0x5: {  	s3 =	ssub.s32 $0x2, s3;
	_ =	strace $0x8000004A;
	s4 =	sor.u32 s5, s4  }
0x6: {  	s11 =	sshrl.u32 s3, $0x1;
	s5 =	simm.s32 $0x1;
	s6 =	sadd.s32 s4, s0  }
0x7: {  	s0 =	sadd.s32 $0x800, s0;
	s12 =	ssub.s32 s3, s11;
	s26 =	sshrl.u32 s4, $0x3  }
0x8: {  	s3 =	simm.s32 $0x400;
	[dreg:$0x3] =	wrdreg s0;
	s17 =	sadd.s32 $0x1F200, s6  }
0x9: {  	s4 =	simm.s32 $0x2;
	s18 =	sadd.s32 $0x1F210, s6;
	[dreg:$0x4] =	wrdreg s17  }
0xa: {  	s19 =	sadd.s32 $0x1F220, s6;
	s20 =	sadd.s32 $0x1F230, s6;
	[dreg:$0x5] =	wrdreg s18  }
0xb: {  	s21 =	sadd.s32 $0x1F240, s6;
	s22 =	sadd.s32 $0x1F250, s6;
	[dreg:$0x6] =	wrdreg s19  }
0xc: {  	s23 =	sadd.s32 $0x1F260, s6;
	s24 =	sadd.s32 $0x1F270, s6;
	[dreg:$0x7] =	wrdreg s20  }
0xd: {  	s25 =	sadd.s32 $0x23200, s6;
	s13 =	sadd.s32 $0x23210, s6;
	[dreg:$0x8] =	wrdreg s21  }
0xe: {  	s14 =	sadd.s32 $0x23220, s6;
	s15 =	sadd.s32 $0x23230, s6;
	[dreg:$0x9] =	wrdreg s22  }
0xf: {  	s16 =	sadd.s32 $0x23240, s6;
	s28 =	sadd.s32 $0x27260, s6;
	[dreg:$0xa] =	wrdreg s23  }
0x10: {  	s29 =	sadd.s32 $0x27270, s6;
	s30 =	sadd.s32 $0x2B200, s6;
	[dreg:$0xb] =	wrdreg s24  }
0x11: {  	s31 =	sadd.s32 $0x2B210, s6;
	s0 =	smax.u32 s12, $0x1;
	[dreg:$0xc] =	wrdreg s25  }
0x12: {  	s17 =	sadd.s32 $0x23250, s6;
	s18 =	sadd.s32 $0x23260, s6;
	s19 =	sadd.s32 $0x23270, s6  }
0x13: {  	s20 =	sadd.s32 $0x27200, s6;
	s21 =	sadd.s32 $0x27210, s6;
	s22 =	sadd.s32 s1, s26  }
0x14: {  	s23 =	sadd.s32 $0x27220, s6;
	s24 =	sadd.s32 $0x27230, s6;
	s25 =	sadd.s32 $0x27240, s6  }
0x15: {  	s26 =	sadd.s32 $0x27250, s6;
	s1 =	simm.s32 $0x80;
	s6 =	simm.s32 $0x3400  }
.LBB2_1:
0x16: {  	s8 =	rddreg [dreg:$0x4]  }
0x17: {  	[tilespmem:s2], [sflag:$0x1] =	stream.strided.gather [hbm4b:s8+s1], $0x200, s3, s1, $0x38;
	[tilespmem:$0x3680] =	vst v63  }
0x18: {  	s11 =	rddreg [dreg:$0x5];
	s9 =	simm.s32 $0x200  }
0x19: {  	[tilespmem:s9], [sflag:$0x1] =	stream.strided.gather [hbm4b:s11+s1], $0x200, s3, s1, $0x38;
	[tilespmem:$0x3680] =	vst v63  }
0x1a: {  	s12 =	rddreg [dreg:$0x6]  }
0x1b: {  	[tilespmem:s3], [sflag:$0x1] =	stream.strided.gather [hbm4b:s12+s1], $0x200, s3, s1, $0x38;
	[tilespmem:$0x3680] =	vst v63  }
0x1c: {  	s10 =	simm.s32 $0x600;
	s9 =	rddreg [dreg:$0x7]  }
0x1d: {  	[tilespmem:s10], [sflag:$0x1] =	stream.strided.gather [hbm4b:s9+s1], $0x200, s3, s1, $0x38;
	[tilespmem:$0x3680] =	vst v63  }
0x1e: {  	s11 =	rddreg [dreg:$0x8];
	s12 =	simm.s32 $0x800  }
0x1f: {  	[tilespmem:s12], [sflag:$0x1] =	stream.strided.gather [hbm4b:s11+s1], $0x200, s3, s1, $0x38;
	[tilespmem:$0x3680] =	vst v63  }
0x20: {  	s9 =	rddreg [dreg:$0x9];
	s10 =	simm.s32 $0xA00  }
0x21: {  	[tilespmem:s10], [sflag:$0x1] =	stream.strided.gather [hbm4b:s9+s1], $0x200, s3, s1, $0x38;
	[tilespmem:$0x3680] =	vst v63  }
0x22: {  	s11 =	rddreg [dreg:$0xa];
	s12 =	simm.s32 $0xC00  }
0x23: {  	[tilespmem:s12], [sflag:$0x1] =	stream.strided.gather [hbm4b:s11+s1], $0x200, s3, s1, $0x38;
	[tilespmem:$0x3680] =	vst v63  }
0x24: {  	s9 =	rddreg [dreg:$0xb];
	s10 =	simm.s32 $0xE00  }
0x25: {  	[tilespmem:s10], [sflag:$0x1] =	stream.strided.gather [hbm4b:s9+s1], $0x200, s3, s1, $0x38;
	[tilespmem:$0x3680] =	vst v63  }
0x26: {  	s11 =	rddreg [dreg:$0xc];
	s12 =	simm.s32 $0x1000  }
0x27: {  	[tilespmem:s12], [sflag:$0x1] =	stream.strided.gather [hbm4b:s11+s1], $0x200, s3, s1, $0x38;
	[tilespmem:$0x3680] =	vst v63  }
0x28: {  	s9 =	simm.s32 $0x1200  }
0x29: {  	[tilespmem:s9], [sflag:$0x1] =	stream.strided.gather [hbm4b:s13+s1], $0x200, s3, s1, $0x38;
	[tilespmem:$0x3680] =	vst v63  }
0x2a: {  	s10 =	simm.s32 $0x1400  }
0x2b: {  	[tilespmem:s10], [sflag:$0x1] =	stream.strided.gather [hbm4b:s14+s1], $0x200, s3, s1, $0x38;
	[tilespmem:$0x3680] =	vst v63  }
0x2c: {  	s11 =	simm.s32 $0x1600  }
0x2d: {  	[tilespmem:s11], [sflag:$0x1] =	stream.strided.gather [hbm4b:s15+s1], $0x200, s3, s1, $0x38;
	[tilespmem:$0x3680] =	vst v63  }
0x2e: {  	s12 =	simm.s32 $0x1800  }
0x2f: {  	[tilespmem:s12], [sflag:$0x1] =	stream.strided.gather [hbm4b:s16+s1], $0x200, s3, s1, $0x38;
	[tilespmem:$0x3680] =	vst v63  }
0x30: {  	s9 =	simm.s32 $0x1A00  }
0x31: {  	[tilespmem:s9], [sflag:$0x1] =	stream.strided.gather [hbm4b:s17+s1], $0x200, s3, s1, $0x38;
	[tilespmem:$0x3680] =	vst v63  }
0x32: {  	s10 =	simm.s32 $0x1C00  }
0x33: {  	[tilespmem:s10], [sflag:$0x1] =	stream.strided.gather [hbm4b:s18+s1], $0x200, s3, s1, $0x38;
	[tilespmem:$0x3680] =	vst v63  }
0x34: {  	s11 =	simm.s32 $0x1E00  }
0x35: {  	[tilespmem:s11], [sflag:$0x1] =	stream.strided.gather [hbm4b:s19+s1], $0x200, s3, s1, $0x38;
	[tilespmem:$0x3680] =	vst v63  }
0x36: {  	s12 =	simm.s32 $0x2000  }
0x37: {  	[tilespmem:s12], [sflag:$0x1] =	stream.strided.gather [hbm4b:s20+s1], $0x200, s3, s1, $0x38;
	[tilespmem:$0x3680] =	vst v63  }
0x38: {  	s9 =	simm.s32 $0x2200  }
0x39: {  	[tilespmem:s9], [sflag:$0x1] =	stream.strided.gather [hbm4b:s21+s1], $0x200, s3, s1, $0x38;
	[tilespmem:$0x3680] =	vst v63  }
0x3a: {  	s10 =	simm.s32 $0x2400  }
0x3b: {  	[tilespmem:s10], [sflag:$0x1] =	stream.strided.gather [hbm4b:s23+s1], $0x200, s3, s1, $0x38;
	[tilespmem:$0x3680] =	vst v63  }
0x3c: {  	s11 =	simm.s32 $0x2600  }
0x3d: {  	[tilespmem:s11], [sflag:$0x1] =	stream.strided.gather [hbm4b:s24+s1], $0x200, s3, s1, $0x38;
	[tilespmem:$0x3680] =	vst v63  }
0x3e: {  	s12 =	simm.s32 $0x2800  }
0x3f: {  	[tilespmem:s12], [sflag:$0x1] =	stream.strided.gather [hbm4b:s25+s1], $0x200, s3, s1, $0x38;
	[tilespmem:$0x3680] =	vst v63  }
0x40: {  	s9 =	simm.s32 $0x2A00  }
0x41: {  	[tilespmem:s9], [sflag:$0x1] =	stream.strided.gather [hbm4b:s26+s1], $0x200, s3, s1, $0x38;
	[tilespmem:$0x3680] =	vst v63  }
0x42: {  	s10 =	simm.s32 $0x2C00  }
0x43: {  	[tilespmem:s10], [sflag:$0x1] =	stream.strided.gather [hbm4b:s28+s1], $0x200, s3, s1, $0x38;
	[tilespmem:$0x3680] =	vst v63  }
0x44: {  	s11 =	simm.s32 $0x2E00  }
0x45: {  	[tilespmem:s11], [sflag:$0x1] =	stream.strided.gather [hbm4b:s29+s1], $0x200, s3, s1, $0x38;
	[tilespmem:$0x3680] =	vst v63  }
0x46: {  	s12 =	simm.s32 $0x3000  }
0x47: {  	[tilespmem:s12], [sflag:$0x1] =	stream.strided.gather [hbm4b:s30+s1], $0x200, s3, s1, $0x38;
	[tilespmem:$0x3680] =	vst v63  }
0x48: {  	s9 =	simm.s32 $0x3200  }
0x49: {  	[tilespmem:s9], [sflag:$0x1] =	stream.strided.gather [hbm4b:s31+s1], $0x200, s3, s1, $0x38;
	[tilespmem:$0x3680] =	vst v63  }
0x4a: {  	s10 =	rddreg [dreg:$0x3];
	s11 =	simm.s32 $0x3600  }
0x4b: {  	[tilespmem:s11], [sflag:$0x2] =	stream.linear.gather [hbm4b:s10+s2], $0x80, $0x38;
	[tilespmem:$0x3680] =	vst v63  }
0x4c: {  	_ =	swait.ge [sflag:s4], $0x80  }
0x4d: {  	[sflag:s4] =	ssyncset.done $0x0  }
0x4e: {  	[sflag:s4] =	ssyncadd.s32 $0xFFFFFF80  }
0x4f: {  	_ =	swait.ge [sflag:s5], $0x3400  }
0x50: {  	[sflag:s5] =	ssyncset.done $0x0  }
0x51: {  	[sflag:s5] =	ssyncadd.s32 $0xFFFFCC00  }
0x52: {  	v0 =	vld [tilespmem:$0x3600]  }
0x53: {  	v1 =	vld [tilespmem:s2+$0x0]  }
0x54: {  	s12 =	sand.u32 $0x1F0, s2  }
0x55: {  	v2 =	vld [tilespmem:s12+$0x200];
	_ =	sdelay $0x1  }
0x56: {  	v3 =	vld [tilespmem:s12+$0x400]  }
0x57: {  	v1 =	vadd.f32 v1, v0  }
0x58: {  	v4 =	vld [tilespmem:s12+$0x600]  }
0x59: {  	v1 =	vadd.f32 v2, v1  }
0x5a: {  	v2 =	vld [tilespmem:s12+$0x800]  }
0x5b: {  	v1 =	vadd.f32 v3, v1  }
0x5c: {  	v3 =	vld [tilespmem:s12+$0xA00]  }
0x5d: {  	v1 =	vadd.f32 v4, v1  }
0x5e: {  	v57 =	vld [tilespmem:s12+$0xC00]  }
0x5f: {  	v1 =	vadd.f32 v2, v1  }
0x60: {  	v2 =	vld [tilespmem:s12+$0xE00]  }
0x61: {  	v1 =	vadd.f32 v3, v1  }
0x62: {  	v3 =	vld [tilespmem:s12+$0x1000]  }
0x63: {  	v1 =	vadd.f32 v57, v1  }
0x64: {  	v58 =	vld [tilespmem:s12+$0x1200]  }
0x65: {  	v1 =	vadd.f32 v2, v1  }
0x66: {  	v2 =	vld [tilespmem:s12+$0x1400]  }
0x67: {  	v1 =	vadd.f32 v3, v1  }
0x68: {  	v3 =	vld [tilespmem:s12+$0x1600]  }
0x69: {  	v1 =	vadd.f32 v58, v1  }
0x6a: {  	v59 =	vld [tilespmem:s12+$0x1800]  }
0x6b: {  	v1 =	vadd.f32 v2, v1  }
0x6c: {  	v2 =	vld [tilespmem:s12+$0x1A00]  }
0x6d: {  	v1 =	vadd.f32 v3, v1  }
0x6e: {  	v3 =	vld [tilespmem:s12+$0x1C00]  }
0x6f: {  	v1 =	vadd.f32 v59, v1  }
0x70: {  	v60 =	vld [tilespmem:s12+$0x1E00]  }
0x71: {  	v1 =	vadd.f32 v2, v1  }
0x72: {  	v2 =	vld [tilespmem:s12+$0x2000]  }
0x73: {  	v1 =	vadd.f32 v3, v1  }
0x74: {  	v3 =	vld [tilespmem:s12+$0x2200]  }
0x75: {  	v1 =	vadd.f32 v60, v1  }
0x76: {  	v61 =	vld [tilespmem:s12+$0x2400]  }
0x77: {  	v1 =	vadd.f32 v2, v1  }
0x78: {  	v2 =	vld [tilespmem:s12+$0x2600]  }
0x79: {  	v1 =	vadd.f32 v3, v1  }
0x7a: {  	v3 =	vld [tilespmem:s12+$0x2800]  }
0x7b: {  	v1 =	vadd.f32 v61, v1  }
0x7c: {  	v62 =	vld [tilespmem:s12+$0x2A00]  }
0x7d: {  	v1 =	vadd.f32 v2, v1  }
0x7e: {  	v2 =	vld [tilespmem:s12+$0x2C00]  }
0x7f: {  	v1 =	vadd.f32 v3, v1  }
0x80: {  	v3 =	vld [tilespmem:s12+$0x2E00]  }
0x81: {  	v1 =	vadd.f32 v62, v1  }
0x82: {  	v63 =	vld [tilespmem:s12+$0x3000]  }
0x83: {  	v1 =	vadd.f32 v2, v1  }
0x84: {  	v2 =	vld [tilespmem:s12+$0x3200]  }
0x85: {  	v1 =	vadd.f32 v3, v1;
	_ =	sdelay $0x1  }
0x86: {  	v1 =	vadd.f32 v63, v1;
	_ =	sdelay $0x1  }
0x87: {  	v1 =	vadd.f32 v2, v1;
	_ =	sdelay $0x1  }
0x88: {  	s9 =	simm.s32 $0x10;
	[tilespmem:s6+$0x0] =	vst v1  }
0x89: {  	s8 =	simm.s32 $0x3400;
	s10 =	simm.s32 $0x20;
	s11 =	simm.s32 $0x10;
	v1 =	vld [tilespmem:s9+$0x0]  }
.LBB2_2:
0x8a: {  	p0 =	sne.s32 s10, $0x1F0;
	s12 =	sand.u32 $0x1F0, s9;
	s9 =	smov.u32 s10  }
0x8b: {  	v2 =	vld [tilespmem:s12+$0x200];
	_ =	sdelay $0x1  }
0x8c: {  	v3 =	vld [tilespmem:s12+$0x400]  }
0x8d: {  	v1 =	vadd.f32 v1, v0  }
0x8e: {  	v4 =	vld [tilespmem:s12+$0x600]  }
0x8f: {  	v1 =	vadd.f32 v2, v1  }
0x90: {  	v2 =	vld [tilespmem:s12+$0x800]  }
0x91: {  	v1 =	vadd.f32 v3, v1  }
0x92: {  	v3 =	vld [tilespmem:s12+$0xA00]  }
0x93: {  	v1 =	vadd.f32 v4, v1  }
0x94: {  	v4 =	vld [tilespmem:s12+$0xC00]  }
0x95: {  	v1 =	vadd.f32 v2, v1  }
0x96: {  	v2 =	vld [tilespmem:s12+$0xE00]  }
0x97: {  	v1 =	vadd.f32 v3, v1  }
0x98: {  	v3 =	vld [tilespmem:s12+$0x1000]  }
0x99: {  	v1 =	vadd.f32 v4, v1  }
0x9a: {  	v4 =	vld [tilespmem:s12+$0x1200]  }
0x9b: {  	v1 =	vadd.f32 v2, v1  }
0x9c: {  	v2 =	vld [tilespmem:s12+$0x1400]  }
0x9d: {  	v1 =	vadd.f32 v3, v1  }
0x9e: {  	v3 =	vld [tilespmem:s12+$0x1600]  }
0x9f: {  	v1 =	vadd.f32 v4, v1  }
0xa0: {  	v4 =	vld [tilespmem:s12+$0x1800]  }
0xa1: {  	v1 =	vadd.f32 v2, v1  }
0xa2: {  	v2 =	vld [tilespmem:s12+$0x1A00]  }
0xa3: {  	v1 =	vadd.f32 v3, v1  }
0xa4: {  	v3 =	vld [tilespmem:s12+$0x1C00]  }
0xa5: {  	v1 =	vadd.f32 v4, v1  }
0xa6: {  	v4 =	vld [tilespmem:s12+$0x1E00]  }
0xa7: {  	v1 =	vadd.f32 v2, v1  }
0xa8: {  	v2 =	vld [tilespmem:s12+$0x2000]  }
0xa9: {  	v1 =	vadd.f32 v3, v1  }
0xaa: {  	v3 =	vld [tilespmem:s12+$0x2200]  }
0xab: {  	v1 =	vadd.f32 v4, v1  }
0xac: {  	v4 =	vld [tilespmem:s12+$0x2400]  }
0xad: {  	v1 =	vadd.f32 v2, v1  }
0xae: {  	v2 =	vld [tilespmem:s12+$0x2600]  }
0xaf: {  	v1 =	vadd.f32 v3, v1  }
0xb0: {  	v3 =	vld [tilespmem:s12+$0x2800]  }
0xb1: {  	v1 =	vadd.f32 v4, v1  }
0xb2: {  	v4 =	vld [tilespmem:s12+$0x2A00]  }
0xb3: {  	v1 =	vadd.f32 v2, v1  }
0xb4: {  	v2 =	vld [tilespmem:s12+$0x2C00]  }
0xb5: {  	v1 =	vadd.f32 v3, v1  }
0xb6: {  	v3 =	vld [tilespmem:s12+$0x2E00]  }
0xb7: {  	v1 =	vadd.f32 v4, v1  }
0xb8: {  	v4 =	vld [tilespmem:s12+$0x3000]  }
0xb9: {  	v1 =	vadd.f32 v2, v1  }
0xba: {  	v2 =	vld [tilespmem:s12+$0x3200]  }
0xbb: {  	v1 =	vadd.f32 v3, v1;
	_ =	sdelay $0x1  }
0xbc: {  	v1 =	vadd.f32 v4, v1  }
.Ltmp0:
0xbd: {  	(pc) =	sbr.rel @p0 .LBB2_2-.Ltmp0, $4  }
0xbe: {  	v1 =	vadd.f32 v2, v1  }
0xbf: {  	s8 =	sadd.s32 $0x10, s8  }
0xc0: {  	s11 =	sadd.s32 $0x10, s11;
	[tilespmem:s8+$0x0] =	vst v1  }
0xc1: {  	s10 =	sadd.s32 $0x10, s10;
	v1 =	vld [tilespmem:s11+$0x0]  }
0xc2: {  	s9 =	sand.u32 $0x1F0, s9  }
0xc3: {  	v2 =	vld [tilespmem:s9+$0x200];
	_ =	sdelay $0x1  }
0xc4: {  	v3 =	vld [tilespmem:s9+$0x400]  }
0xc5: {  	v0 =	vadd.f32 v1, v0  }
0xc6: {  	v41 =	vld [tilespmem:s9+$0x600]  }
0xc7: {  	v0 =	vadd.f32 v2, v0  }
0xc8: {  	v42 =	vld [tilespmem:s9+$0x800]  }
0xc9: {  	v0 =	vadd.f32 v3, v0  }
0xca: {  	v43 =	vld [tilespmem:s9+$0xA00]  }
0xcb: {  	v0 =	vadd.f32 v41, v0  }
0xcc: {  	v44 =	vld [tilespmem:s9+$0xC00]  }
0xcd: {  	v0 =	vadd.f32 v42, v0  }
0xce: {  	v45 =	vld [tilespmem:s9+$0xE00]  }
0xcf: {  	v0 =	vadd.f32 v43, v0  }
0xd0: {  	v46 =	vld [tilespmem:s9+$0x1000]  }
0xd1: {  	v0 =	vadd.f32 v44, v0  }
0xd2: {  	v47 =	vld [tilespmem:s9+$0x1200]  }
0xd3: {  	v0 =	vadd.f32 v45, v0  }
0xd4: {  	v48 =	vld [tilespmem:s9+$0x1400]  }
0xd5: {  	v0 =	vadd.f32 v46, v0  }
0xd6: {  	v49 =	vld [tilespmem:s9+$0x1600]  }
0xd7: {  	v0 =	vadd.f32 v47, v0  }
0xd8: {  	v50 =	vld [tilespmem:s9+$0x1800]  }
0xd9: {  	v0 =	vadd.f32 v48, v0  }
0xda: {  	v51 =	vld [tilespmem:s9+$0x1A00]  }
0xdb: {  	v0 =	vadd.f32 v49, v0  }
0xdc: {  	v52 =	vld [tilespmem:s9+$0x1C00]  }
0xdd: {  	v0 =	vadd.f32 v50, v0  }
0xde: {  	v53 =	vld [tilespmem:s9+$0x1E00]  }
0xdf: {  	v0 =	vadd.f32 v51, v0  }
0xe0: {  	v54 =	vld [tilespmem:s9+$0x2000]  }
0xe1: {  	v0 =	vadd.f32 v52, v0  }
0xe2: {  	v55 =	vld [tilespmem:s9+$0x2200]  }
0xe3: {  	v0 =	vadd.f32 v53, v0  }
0xe4: {  	v56 =	vld [tilespmem:s9+$0x2400]  }
0xe5: {  	v0 =	vadd.f32 v54, v0  }
0xe6: {  	v57 =	vld [tilespmem:s9+$0x2600]  }
0xe7: {  	v0 =	vadd.f32 v55, v0  }
0xe8: {  	v58 =	vld [tilespmem:s9+$0x2800]  }
0xe9: {  	v0 =	vadd.f32 v56, v0  }
0xea: {  	v59 =	vld [tilespmem:s9+$0x2A00]  }
0xeb: {  	v0 =	vadd.f32 v57, v0  }
0xec: {  	v60 =	vld [tilespmem:s9+$0x2C00]  }
0xed: {  	v0 =	vadd.f32 v58, v0  }
0xee: {  	v61 =	vld [tilespmem:s9+$0x2E00]  }
0xef: {  	v0 =	vadd.f32 v59, v0  }
0xf0: {  	v62 =	vld [tilespmem:s9+$0x3000]  }
0xf1: {  	v0 =	vadd.f32 v60, v0  }
0xf2: {  	v63 =	vld [tilespmem:s9+$0x3200]  }
0xf3: {  	v0 =	vadd.f32 v61, v0;
	_ =	sdelay $0x1  }
0xf4: {  	v0 =	vadd.f32 v62, v0;
	_ =	sdelay $0x1  }
0xf5: {  	s7 =	sadd.s32 $0x1, s7;
	v0 =	vadd.f32 v63, v0  }
0xf6: {  	s8 =	sadd.s32 $0x10, s8;
	p0 =	sne.s32 s7, s0  }
.Ltmp1:
0xf7: {  	[tilespmem:s8+$0x0] =	vst v0;
	(pc) =	sbr.rel @p0 .LBB2_1-.Ltmp1, $4  }
0xf8: {  	[hbm4b:s22+s2] =	stream.linear.scatter [tilespmem:s6], [sflag:$0x2], $0x200, $0x38;
	[tilespmem:$0x3680] =	vst v63  }
0xf9: {  	_ =	swait.ge [sflag:s4], $0x200  }
0xfa: {  	[sflag:s4] =	ssyncset.done $0x0  }
0xfb: {  	[sflag:s4] =	ssyncadd.s32 $0xFFFFFE00  }
0xfc: {  	_ =	sfence.sel $0x180000  }
0xfd: {  	[bflag:$0x0] =	sbarrier.arrive $0xFFFF  }
0xfe: {  	_ =	strace $0x9000004A  }
0xff: {  	s0 =	stileid.u32;
	[bflag:$0x2] =	sbarrier.arrive $0xFFFF  }
0x100: {  	p0 =	sne.s32 s0, $0x0;
	s0 =	rddreg [dreg:$0x2]  }
0x101: {  	s0 =	sadd.s32 @!p0 $0x100000, s0  }
0x102: {  	[sflag:s0] =	ssyncadd.tile.s32 @!p0 $0x1;
	_ =	shalt  }
.Lfunc_end2:
_tile_overlayer_lowered:
.L_overlay_start_2:
0x103: {  	(tag) =	ssettag $0x2  }
0x104: {  	s0 =	rddreg [dreg:$0x0];
	s2 =	stileid.u32  }
0x105: {  	s1 =	rddreg [dreg:$0x1];
	p0 =	sne.s32 s2, $0x0  }
0x106: {  	s3 =	rddreg [dreg:$0x2];
	[bflag:$0x3] =	sbarrier.arrive $0xFFFF;
	s2 =	simm.s32 @!p0 $0x1C02  }
0x107: {  	[timem:s3], [sflag:s2] =	dma.local @!p0 [hbm:s0], s1  }
0x108: {  	s0 =	simm.s32 @!p0 $0x2  }
0x109: {  	_ =	swait.ge @!p0 [sflag:s0], s1  }
0x10a: {  	s1 =	ssub.s32 @!p0 $0x0, s1;
	[sflag:s0] =	ssyncset.done @!p0 $0x0  }
0x10b: {  	[sflag:s0] =	ssyncadd.s32 @!p0 s1  }
0x10c: {  	[bflag:$0x3] =	sbarrier.arrive $0xFFFF  }
0x10d: {  	_ =	shalt  }

</sc_bundles>
